<compile_context>
chip_gen: v7x
topology: tpu7x:2x2x1
jax: 0.10.2.dev20260603
libtpu: 0.0.44.dev20260713+nightly
codegen_flags: <defaults>
</compile_context>

<pallas_src>
import functools

import jax
import jax.numpy as jnp
import numpy as np
from jax import lax
from jax.experimental import pallas as pl
from jax.experimental.pallas import tpu as pltpu
from jax.experimental.pallas import tpu_sc as plsc

_TM = 1024
_NE = 640
_N = 2048
_NCH = _N // 16


def _score_body(x_ref, w1e_ref, b1_ref, g_ref, beta_ref, w2b_ref, b2_ref,
                out_ref):
    H = 512
    xb = x_ref[...].astype(jnp.bfloat16)
    he = lax.dot_general(xb, w1e_ref[...], (((1,), (0,)), ((), ())),
                         preferred_element_type=jnp.float32)
    h = he[:, :H] + b1_ref[...]
    s1 = he[:, H]
    mu = jnp.mean(h, axis=-1, keepdims=True)
    hc = h - mu
    var = jnp.mean(hc * hc, axis=-1, keepdims=True)
    m = jnp.maximum(hc / jnp.sqrt(var + 1e-5) * g_ref[...] + beta_ref[...],
                    0.0)
    h2 = lax.dot_general(m.astype(jnp.bfloat16), w2b_ref[...],
                         (((1,), (0,)), ((), ())),
                         preferred_element_type=jnp.float32)
    s2 = h2[:, 0]
    out_ref[0, :] = s1 + s2 + b2_ref[0, 0]


_SIGN = np.int32(-2147483648)


def _bsum(v):
    i16 = lax.iota(jnp.int32, 16)
    for d in (1, 2, 4, 8):
        v = v + v.at[i16 ^ d].get(mode="promise_in_bounds")
    return v


def _bmax(v):
    i16 = lax.iota(jnp.int32, 16)
    for d in (1, 2, 4, 8):
        v = jnp.maximum(v, v.at[i16 ^ d].get(mode="promise_in_bounds"))
    return v


def _sc_mask_body(s_hbm, k_hbm, out_hbm, buf, keys, obuf, kbuf):
    row = lax.axis_index("s") * 2 + lax.axis_index("c")

    @pl.when(row < 16)
    def _():
        pltpu.sync_copy(s_hbm.at[row], buf)
        pltpu.sync_copy(k_hbm, kbuf)
        kv = kbuf[...]

        def p1(i, mx):
            for u in range(8):
                ch = buf[pl.ds((i * 8 + u) * 16, 16)]
                b = lax.bitcast_convert_type(ch, jnp.int32)
                keys[pl.ds((i * 8 + u) * 16, 16)] = jnp.where(b >= 0, b,
                                                              _SIGN - b)
                mx = jnp.maximum(mx, ch)
            return mx

        mx = _bmax(lax.fori_loop(0, _NCH // 8, p1,
                                 jnp.full((16,), -jnp.inf, jnp.float32)))

        def p2(i, acc):
            for u in range(8):
                acc = acc + jnp.exp(buf[pl.ds((i * 8 + u) * 16, 16)] - mx)
            return acc

        ses = _bsum(lax.fori_loop(0, _NCH // 8, p2, jnp.zeros((16,),
                                                              jnp.float32)))

        ib = lax.bitcast_convert_type(ses, jnp.int32)
        e = ((ib >> 23) - 127).astype(jnp.float32)
        mant = lax.bitcast_convert_type(
            (ib & jnp.int32(0x007FFFFF)) | jnp.int32(0x3F800000),
            jnp.float32)
        t = (mant - 1.0) / (mant + 1.0)
        t2 = t * t
        lnm = t * (2.0 + t2 * (2.0 / 3.0 + t2 * (2.0 / 5.0 + t2 *
                   (2.0 / 7.0 + t2 * (2.0 / 9.0 + t2 * (2.0 / 11.0))))))
        lse = mx + (e * jnp.float32(0.6931471805599453) + lnm)

        def bitstep(j, carry):
            ubits, bit = carry
            cand = (ubits | bit) ^ _SIGN

            def cnt8(i, acc):
                for u in range(8):
                    kc = keys[pl.ds((i * 8 + u) * 16, 16)]
                    acc = acc + jnp.where(kc >= cand, jnp.int32(1),
                                          jnp.int32(0))
                return acc

            tot = _bsum(lax.fori_loop(0, _NCH // 8, cnt8,
                                      jnp.zeros((16,), jnp.int32)))
            ubits = jnp.where(tot >= kv, ubits | bit, ubits)
            return ubits, lax.shift_right_logical(bit, 1)

        ubits, _ = lax.fori_loop(0, 32, bitstep,
                                 (jnp.zeros((16,), jnp.int32),
                                  jnp.full((16,), _SIGN)))
        thresh = ubits ^ _SIGN

        def p4(i, carry):
            for u in range(8):
                ch = buf[pl.ds((i * 8 + u) * 16, 16)]
                kc = keys[pl.ds((i * 8 + u) * 16, 16)]
                obuf[pl.ds((i * 8 + u) * 16, 16)] = jnp.where(
                    kc >= thresh, ch - lse, jnp.float32(-1e9))
            return carry

        lax.fori_loop(0, _NCH // 8, p4, 0)
        pltpu.sync_copy(obuf, out_hbm.at[row])


def _sc_mask(scores, kvec):
    fn = functools.partial(
        pl.kernel,
        out_type=jax.ShapeDtypeStruct((16, _N), jnp.float32),
        mesh=plsc.VectorSubcoreMesh(core_axis_name="c", subcore_axis_name="s"),
        scratch_types=[
            pltpu.VMEM((_N,), jnp.float32),
            pltpu.VMEM((_N,), jnp.int32),
            pltpu.VMEM((_N,), jnp.float32),
            pltpu.VMEM((16,), jnp.int32),
        ],
    )(_sc_mask_body)
    return fn(scores, kvec)


def kernel(hidden_states, W1, b1, ln_g, ln_b, W2, b2, k):
    B, N, F = hidden_states.shape
    H = W1.shape[1]
    x2d = hidden_states.reshape(B * N, F)
    w1e = jnp.concatenate(
        [W1, W2[:F], jnp.zeros((F, _NE - H - 1), W1.dtype)],
        axis=1).astype(jnp.bfloat16)
    w2bp = jnp.concatenate(
        [W2[F:], jnp.zeros((H, 127), W2.dtype)], axis=1).astype(jnp.bfloat16)
    G = (B * N) // _TM
    scores = pl.pallas_call(
        _score_body,
        grid=(G,),
        in_specs=[
            pl.BlockSpec((_TM, F), lambda i: (i, 0)),
            pl.BlockSpec((F, _NE), lambda i: (0, 0)),
            pl.BlockSpec((1, H), lambda i: (0, 0)),
            pl.BlockSpec((1, H), lambda i: (0, 0)),
            pl.BlockSpec((1, H), lambda i: (0, 0)),
            pl.BlockSpec((H, 128), lambda i: (0, 0)),
            pl.BlockSpec((1, 1), lambda i: (0, 0)),
        ],
        out_specs=pl.BlockSpec((1, _TM), lambda i: (0, i)),
        out_shape=jax.ShapeDtypeStruct((1, B * N), jnp.float32),
    )(x2d, w1e, b1.reshape(1, H), ln_g.reshape(1, H), ln_b.reshape(1, H),
      w2bp, b2.reshape(1, 1))
    scores = scores.reshape(B, N)

    masked = _sc_mask(scores, jnp.full((16,), k, jnp.int32))
    return masked

# --- scband reference (transcript-rebuilt; emitter-appended) ---
"""Pipeline reference for scband-decoder-44152263803357 (READ-ONLY COPY).

The authoritative reference and input builder live on the scoring server;
editing this copy changes nothing except your own understanding.
"""

import jax, jax.numpy as jnp
import numpy as np


def _mlp(x, W, b, g, beta):
    # MLP = Linear -> LayerNorm -> ReLU (DenseTNT-style MLP block)
    h = x @ W + b
    mu = jnp.mean(h, axis=-1, keepdims=True)
    var = jnp.var(h, axis=-1, keepdims=True)
    h = (h - mu) / jnp.sqrt(var + 1e-5) * g + beta
    return jax.nn.relu(h)


def setup_inputs(seed: int = 0) -> dict:
    key = jax.random.key(seed)
    k0, k1, k2, k3, k4 = jax.random.split(key, 5)
    B, N, F, H = 16, 2048, 1536, 512
    hidden_states = jax.random.normal(k0, (B, N, F), dtype=jnp.float32)
    W1 = jax.random.normal(k1, (F, H), dtype=jnp.float32) * (1.0 / np.sqrt(F))
    b1 = jax.random.normal(k2, (H,), dtype=jnp.float32) * 0.01
    ln_g = jnp.ones((H,), dtype=jnp.float32)
    ln_b = jnp.zeros((H,), dtype=jnp.float32)
    W2 = jax.random.normal(k3, (F + H, 1), dtype=jnp.float32) * (1.0 / np.sqrt(F + H))
    b2 = jax.random.normal(k4, (1,), dtype=jnp.float32) * 0.01
    return {"hidden_states": hidden_states, "W1": W1, "b1": b1, "ln_g": ln_g,
            "ln_b": ln_b, "W2": W2, "b2": b2, "k": 150}


def reference(hidden_states, W1, b1, ln_g, ln_b, W2, b2, k):
    # DecoderResCat: fc(cat([h, MLP(h)], -1)) -> scores; then stage-one style
    # log_softmax over candidates and top-k masking (DenseTNT goal scoring).
    m = _mlp(hidden_states, W1, b1, ln_g, ln_b)
    cat = jnp.concatenate([hidden_states, m], axis=-1)
    scores = (cat @ W2 + b2)[..., 0]            # [B, N]
    logp = jax.nn.log_softmax(scores, axis=-1)  # [B, N]
    sorted_desc = jnp.sort(logp, axis=-1)[:, ::-1]
    thresh = jax.lax.dynamic_slice_in_dim(sorted_desc, k - 1, 1, axis=1)
    masked = jnp.where(logp >= thresh, logp, jnp.full_like(logp, -1e9))
    return masked

if __name__ == "__main__":
    import jax
    _d = setup_inputs()
    print(jax.jit(kernel)(*tuple(_d.values())))

</pallas_src>

<mosaic_0001>
#map = affine_map<(d0, d1) -> (0, 0)>
#map1 = affine_map<(d0, d1) -> (0)>
module attributes {stable_mosaic.version = 14 : i64} {
  func.func @_sc_mask_body(%arg0: i32, %arg1: i32, %arg2: memref<16x2048xf32, #tpu.memory_space<hbm>>, %arg3: memref<16xi32, #tpu.memory_space<hbm>>, %arg4: memref<16x2048xf32, #tpu.memory_space<hbm>>, %arg5: memref<2048xf32, #tpu.memory_space<vmem>>, %arg6: memref<2048xi32, #tpu.memory_space<vmem>>, %arg7: memref<2048xf32, #tpu.memory_space<vmem>>, %arg8: memref<16xi32, #tpu.memory_space<vmem>>) attributes {dimension_semantics = [#tpu.dimension_semantics<core_parallel>, #tpu.dimension_semantics<subcore_parallel>], iteration_bounds = array<i64: 2, 16>, scalar_prefetch = 0 : i64, scratch_operands = 4 : i64, tpu.core_type = #tpu.core_type<sc_vector_subcore>, window_params = [{transform_indices = #map}, {transform_indices = #map1}, {transform_indices = #map}]} {
    %mul3A = arith.constant 2 : i32
    %mul3A_0 = arith.muli %arg1, %mul3A : i32
    %add3A = arith.addi %mul3A_0, %arg0 : i32
    %lt3A = arith.constant 16 : i32
    %lt3A_1 = arith.cmpi slt, %add3A, %lt3A : i32
    %convert_element_type3A = arith.extui %lt3A_1 : i1 to i32
    %cond3A = arith.constant 0 : i32
    %cond3A_2 = arith.cmpi ne, %convert_element_type3A, %cond3A : i32
    scf.if %cond3A_2 {
      "tpu.region"() ({
        %run_scoped3A = tpu.sem_alloc : memref<!tpu.dma_semaphore, #tpu.memory_space<semaphore_mem>>
        %dma_start3A = arith.constant 0 : i32
        %dma_start3A_192 = tpu.memref_slice %arg2[%add3A, %dma_start3A] : memref<16x2048xf32, #tpu.memory_space<hbm>> -> memref<1x2048xf32, #tpu.memory_space<hbm>>
        %dma_start3A_193 = tpu.memref_squeeze %dma_start3A_192 : memref<1x2048xf32, #tpu.memory_space<hbm>> -> memref<2048xf32, #tpu.memory_space<hbm>>
        %dma_start3A_194 = arith.constant 0 : i32
        %dma_start3A_195 = tpu.memref_slice %arg2[%add3A, %dma_start3A_194] : memref<16x2048xf32, #tpu.memory_space<hbm>> -> memref<1x2048xf32, #tpu.memory_space<hbm>>
        %dma_start3A_196 = tpu.memref_squeeze %dma_start3A_195 : memref<1x2048xf32, #tpu.memory_space<hbm>> -> memref<2048xf32, #tpu.memory_space<hbm>>
        tpu.enqueue_dma source(%dma_start3A_196 : memref<2048xf32, #tpu.memory_space<hbm>>) target(%arg5 : memref<2048xf32, #tpu.memory_space<vmem>>) target_semaphore(%run_scoped3A : memref<!tpu.dma_semaphore, #tpu.memory_space<semaphore_mem>>)
        %dma_wait3A = arith.constant 0 : i32
        %dma_wait3A_197 = tpu.memref_slice %arg2[%add3A, %dma_wait3A] : memref<16x2048xf32, #tpu.memory_space<hbm>> -> memref<1x2048xf32, #tpu.memory_space<hbm>>
        %dma_wait3A_198 = tpu.memref_squeeze %dma_wait3A_197 : memref<1x2048xf32, #tpu.memory_space<hbm>> -> memref<2048xf32, #tpu.memory_space<hbm>>
        %dma_wait3A_199 = arith.constant 0 : i32
        %dma_wait3A_200 = tpu.memref_slice %arg2[%add3A, %dma_wait3A_199] : memref<16x2048xf32, #tpu.memory_space<hbm>> -> memref<1x2048xf32, #tpu.memory_space<hbm>>
        %dma_wait3A_201 = tpu.memref_squeeze %dma_wait3A_200 : memref<1x2048xf32, #tpu.memory_space<hbm>> -> memref<2048xf32, #tpu.memory_space<hbm>>
        tpu.wait_dma2 semaphore(%run_scoped3A : memref<!tpu.dma_semaphore, #tpu.memory_space<semaphore_mem>>) src(%dma_wait3A_201 : memref<2048xf32, #tpu.memory_space<hbm>>) dst(%arg5 : memref<2048xf32, #tpu.memory_space<vmem>>)
        tpu.yield
      }) : () -> ()
      "tpu.region"() ({
        %run_scoped3A = tpu.sem_alloc : memref<!tpu.dma_semaphore, #tpu.memory_space<semaphore_mem>>
        tpu.enqueue_dma source(%arg3 : memref<16xi32, #tpu.memory_space<hbm>>) target(%arg8 : memref<16xi32, #tpu.memory_space<vmem>>) target_semaphore(%run_scoped3A : memref<!tpu.dma_semaphore, #tpu.memory_space<semaphore_mem>>)
        tpu.wait_dma2 semaphore(%run_scoped3A : memref<!tpu.dma_semaphore, #tpu.memory_space<semaphore_mem>>) src(%arg3 : memref<16xi32, #tpu.memory_space<hbm>>) dst(%arg8 : memref<16xi32, #tpu.memory_space<vmem>>)
        tpu.yield
      }) : () -> ()
      %get3A = arith.constant 0 : index
      %get3A_3 = tpu.vector_load %arg8[%get3A] {strides = array<i32>} : memref<16xi32, #tpu.memory_space<vmem>>, vector<16xi32>,
      %get3A_4 = vector.shape_cast %get3A_3 : vector<16xi32> to vector<16xi32>
      %broadcast_in_dim3A = arith.constant 0xFF800000 : f32
      %broadcast_in_dim3A_5 = vector.broadcast %broadcast_in_dim3A : f32 to vector<16xf32>
      %scan3A = arith.constant 0 : i32
      %scan3A_6 = arith.constant 16 : i32
      %scan3A_7 = arith.addi %scan3A, %scan3A_6 : i32
      %scan3A_8 = arith.constant 1 : i32
      %scan3A_9 = scf.for %scan3A_192 = %scan3A to %scan3A_7 step %scan3A_8 iter_args(%scan3A_193 = %broadcast_in_dim3A_5) -> (vector<16xf32>)  : i32 {
        %mul3A_194 = arith.constant 8 : i32
        %mul3A_195 = arith.muli %scan3A_192, %mul3A_194 : i32
        %add3A_196 = arith.constant 0 : i32
        %add3A_197 = arith.addi %mul3A_195, %add3A_196 : i32
        %mul3A_198 = arith.constant 16 : i32
        %mul3A_199 = arith.muli %add3A_197, %mul3A_198 : i32
        %get3A_200 = arith.index_cast %mul3A_199 : i32 to index
        %get3A_201 = tpu.vector_load %arg5[%get3A_200] {strides = array<i32>} : memref<2048xf32, #tpu.memory_space<vmem>>, vector<16xf32>,
        %get3A_202 = vector.shape_cast %get3A_201 : vector<16xf32> to vector<16xf32>
        %bitcast_convert_type3A_203 = tpu.bitcast %get3A_202 : vector<16xf32> -> vector<16xi32>
        %ge3A = arith.constant 0 : i32
        %ge3A_204 = vector.broadcast %ge3A : i32 to vector<16xi32>
        %ge3A_205 = arith.cmpi sge, %bitcast_convert_type3A_203, %ge3A_204 : vector<16xi32>
        %sub3A_206 = arith.constant -2147483648 : i32
        %sub3A_207 = vector.broadcast %sub3A_206 : i32 to vector<16xi32>
        %sub3A_208 = arith.subi %sub3A_207, %bitcast_convert_type3A_203 : vector<16xi32>
        %select_n3A_209 = arith.select %ge3A_205, %bitcast_convert_type3A_203, %sub3A_208 : vector<16xi1>, vector<16xi32>
        %mul3A_210 = arith.constant 8 : i32
        %mul3A_211 = arith.muli %scan3A_192, %mul3A_210 : i32
        %add3A_212 = arith.constant 0 : i32
        %add3A_213 = arith.addi %mul3A_211, %add3A_212 : i32
        %mul3A_214 = arith.constant 16 : i32
        %mul3A_215 = arith.muli %add3A_213, %mul3A_214 : i32
        %swap3A = arith.index_cast %mul3A_215 : i32 to index
        %swap3A_216 = tpu.vector_load %arg6[%swap3A] {strides = array<i32>} : memref<2048xi32, #tpu.memory_space<vmem>>, vector<16xi32>,
        %swap3A_217 = vector.shape_cast %swap3A_216 : vector<16xi32> to vector<16xi32>
        %swap3A_218 = vector.shape_cast %select_n3A_209 : vector<16xi32> to vector<16xi32>
        tpu.vector_store %arg6[%swap3A], %swap3A_218 {strides = array<i32>} : memref<2048xi32, #tpu.memory_space<vmem>>, vector<16xi32>,
        %max3A_219 = arith.maximumf %scan3A_193, %get3A_202 : vector<16xf32>
        %mul3A_220 = arith.constant 8 : i32
        %mul3A_221 = arith.muli %scan3A_192, %mul3A_220 : i32
        %add3A_222 = arith.constant 1 : i32
        %add3A_223 = arith.addi %mul3A_221, %add3A_222 : i32
        %mul3A_224 = arith.constant 16 : i32
        %mul3A_225 = arith.muli %add3A_223, %mul3A_224 : i32
        %get3A_226 = arith.index_cast %mul3A_225 : i32 to index
        %get3A_227 = tpu.vector_load %arg5[%get3A_226] {strides = array<i32>} : memref<2048xf32, #tpu.memory_space<vmem>>, vector<16xf32>,
        %get3A_228 = vector.shape_cast %get3A_227 : vector<16xf32> to vector<16xf32>
        %bitcast_convert_type3A_229 = tpu.bitcast %get3A_228 : vector<16xf32> -> vector<16xi32>
        %ge3A_230 = arith.constant 0 : i32
        %ge3A_231 = vector.broadcast %ge3A_230 : i32 to vector<16xi32>
        %ge3A_232 = arith.cmpi sge, %bitcast_convert_type3A_229, %ge3A_231 : vector<16xi32>
        %sub3A_233 = arith.constant -2147483648 : i32
        %sub3A_234 = vector.broadcast %sub3A_233 : i32 to vector<16xi32>
        %sub3A_235 = arith.subi %sub3A_234, %bitcast_convert_type3A_229 : vector<16xi32>
        %select_n3A_236 = arith.select %ge3A_232, %bitcast_convert_type3A_229, %sub3A_235 : vector<16xi1>, vector<16xi32>
        %mul3A_237 = arith.constant 8 : i32
        %mul3A_238 = arith.muli %scan3A_192, %mul3A_237 : i32
        %add3A_239 = arith.constant 1 : i32
        %add3A_240 = arith.addi %mul3A_238, %add3A_239 : i32
        %mul3A_241 = arith.constant 16 : i32
        %mul3A_242 = arith.muli %add3A_240, %mul3A_241 : i32
        %swap3A_243 = arith.index_cast %mul3A_242 : i32 to index
        %swap3A_244 = tpu.vector_load %arg6[%swap3A_243] {strides = array<i32>} : memref<2048xi32, #tpu.memory_space<vmem>>, vector<16xi32>,
        %swap3A_245 = vector.shape_cast %swap3A_244 : vector<16xi32> to vector<16xi32>
        %swap3A_246 = vector.shape_cast %select_n3A_236 : vector<16xi32> to vector<16xi32>
        tpu.vector_store %arg6[%swap3A_243], %swap3A_246 {strides = array<i32>} : memref<2048xi32, #tpu.memory_space<vmem>>, vector<16xi32>,
        %max3A_247 = arith.maximumf %max3A_219, %get3A_228 : vector<16xf32>
        %mul3A_248 = arith.constant 8 : i32
        %mul3A_249 = arith.muli %scan3A_192, %mul3A_248 : i32
        %add3A_250 = arith.constant 2 : i32
        %add3A_251 = arith.addi %mul3A_249, %add3A_250 : i32
        %mul3A_252 = arith.constant 16 : i32
        %mul3A_253 = arith.muli %add3A_251, %mul3A_252 : i32
        %get3A_254 = arith.index_cast %mul3A_253 : i32 to index
        %get3A_255 = tpu.vector_load %arg5[%get3A_254] {strides = array<i32>} : memref<2048xf32, #tpu.memory_space<vmem>>, vector<16xf32>,
        %get3A_256 = vector.shape_cast %get3A_255 : vector<16xf32> to vector<16xf32>
        %bitcast_convert_type3A_257 = tpu.bitcast %get3A_256 : vector<16xf32> -> vector<16xi32>
        %ge3A_258 = arith.constant 0 : i32
        %ge3A_259 = vector.broadcast %ge3A_258 : i32 to vector<16xi32>
        %ge3A_260 = arith.cmpi sge, %bitcast_convert_type3A_257, %ge3A_259 : vector<16xi32>
        %sub3A_261 = arith.constant -2147483648 : i32
        %sub3A_262 = vector.broadcast %sub3A_261 : i32 to vector<16xi32>
        %sub3A_263 = arith.subi %sub3A_262, %bitcast_convert_type3A_257 : vector<16xi32>
        %select_n3A_264 = arith.select %ge3A_260, %bitcast_convert_type3A_257, %sub3A_263 : vector<16xi1>, vector<16xi32>
        %mul3A_265 = arith.constant 8 : i32
        %mul3A_266 = arith.muli %scan3A_192, %mul3A_265 : i32
        %add3A_267 = arith.constant 2 : i32
        %add3A_268 = arith.addi %mul3A_266, %add3A_267 : i32
        %mul3A_269 = arith.constant 16 : i32
        %mul3A_270 = arith.muli %add3A_268, %mul3A_269 : i32
        %swap3A_271 = arith.index_cast %mul3A_270 : i32 to index
        %swap3A_272 = tpu.vector_load %arg6[%swap3A_271] {strides = array<i32>} : memref<2048xi32, #tpu.memory_space<vmem>>, vector<16xi32>,
        %swap3A_273 = vector.shape_cast %swap3A_272 : vector<16xi32> to vector<16xi32>
        %swap3A_274 = vector.shape_cast %select_n3A_264 : vector<16xi32> to vector<16xi32>
        tpu.vector_store %arg6[%swap3A_271], %swap3A_274 {strides = array<i32>} : memref<2048xi32, #tpu.memory_space<vmem>>, vector<16xi32>,
        %max3A_275 = arith.maximumf %max3A_247, %get3A_256 : vector<16xf32>
        %mul3A_276 = arith.constant 8 : i32
        %mul3A_277 = arith.muli %scan3A_192, %mul3A_276 : i32
        %add3A_278 = arith.constant 3 : i32
        %add3A_279 = arith.addi %mul3A_277, %add3A_278 : i32
        %mul3A_280 = arith.constant 16 : i32
        %mul3A_281 = arith.muli %add3A_279, %mul3A_280 : i32
        %get3A_282 = arith.index_cast %mul3A_281 : i32 to index
        %get3A_283 = tpu.vector_load %arg5[%get3A_282] {strides = array<i32>} : memref<2048xf32, #tpu.memory_space<vmem>>, vector<16xf32>,
        %get3A_284 = vector.shape_cast %get3A_283 : vector<16xf32> to vector<16xf32>
        %bitcast_convert_type3A_285 = tpu.bitcast %get3A_284 : vector<16xf32> -> vector<16xi32>
        %ge3A_286 = arith.constant 0 : i32
        %ge3A_287 = vector.broadcast %ge3A_286 : i32 to vector<16xi32>
        %ge3A_288 = arith.cmpi sge, %bitcast_convert_type3A_285, %ge3A_287 : vector<16xi32>
        %sub3A_289 = arith.constant -2147483648 : i32
        %sub3A_290 = vector.broadcast %sub3A_289 : i32 to vector<16xi32>
        %sub3A_291 = arith.subi %sub3A_290, %bitcast_convert_type3A_285 : vector<16xi32>
        %select_n3A_292 = arith.select %ge3A_288, %bitcast_convert_type3A_285, %sub3A_291 : vector<16xi1>, vector<16xi32>
        %mul3A_293 = arith.constant 8 : i32
        %mul3A_294 = arith.muli %scan3A_192, %mul3A_293 : i32
        %add3A_295 = arith.constant 3 : i32
        %add3A_296 = arith.addi %mul3A_294, %add3A_295 : i32
        %mul3A_297 = arith.constant 16 : i32
        %mul3A_298 = arith.muli %add3A_296, %mul3A_297 : i32
        %swap3A_299 = arith.index_cast %mul3A_298 : i32 to index
        %swap3A_300 = tpu.vector_load %arg6[%swap3A_299] {strides = array<i32>} : memref<2048xi32, #tpu.memory_space<vmem>>, vector<16xi32>,
        %swap3A_301 = vector.shape_cast %swap3A_300 : vector<16xi32> to vector<16xi32>
        %swap3A_302 = vector.shape_cast %select_n3A_292 : vector<16xi32> to vector<16xi32>
        tpu.vector_store %arg6[%swap3A_299], %swap3A_302 {strides = array<i32>} : memref<2048xi32, #tpu.memory_space<vmem>>, vector<16xi32>,
        %max3A_303 = arith.maximumf %max3A_275, %get3A_284 : vector<16xf32>
        %mul3A_304 = arith.constant 8 : i32
        %mul3A_305 = arith.muli %scan3A_192, %mul3A_304 : i32
        %add3A_306 = arith.constant 4 : i32
        %add3A_307 = arith.addi %mul3A_305, %add3A_306 : i32
        %mul3A_308 = arith.constant 16 : i32
        %mul3A_309 = arith.muli %add3A_307, %mul3A_308 : i32
        %get3A_310 = arith.index_cast %mul3A_309 : i32 to index
        %get3A_311 = tpu.vector_load %arg5[%get3A_310] {strides = array<i32>} : memref<2048xf32, #tpu.memory_space<vmem>>, vector<16xf32>,
        %get3A_312 = vector.shape_cast %get3A_311 : vector<16xf32> to vector<16xf32>
        %bitcast_convert_type3A_313 = tpu.bitcast %get3A_312 : vector<16xf32> -> vector<16xi32>
        %ge3A_314 = arith.constant 0 : i32
        %ge3A_315 = vector.broadcast %ge3A_314 : i32 to vector<16xi32>
        %ge3A_316 = arith.cmpi sge, %bitcast_convert_type3A_313, %ge3A_315 : vector<16xi32>
        %sub3A_317 = arith.constant -2147483648 : i32
        %sub3A_318 = vector.broadcast %sub3A_317 : i32 to vector<16xi32>
        %sub3A_319 = arith.subi %sub3A_318, %bitcast_convert_type3A_313 : vector<16xi32>
        %select_n3A_320 = arith.select %ge3A_316, %bitcast_convert_type3A_313, %sub3A_319 : vector<16xi1>, vector<16xi32>
        %mul3A_321 = arith.constant 8 : i32
        %mul3A_322 = arith.muli %scan3A_192, %mul3A_321 : i32
        %add3A_323 = arith.constant 4 : i32
        %add3A_324 = arith.addi %mul3A_322, %add3A_323 : i32
        %mul3A_325 = arith.constant 16 : i32
        %mul3A_326 = arith.muli %add3A_324, %mul3A_325 : i32
        %swap3A_327 = arith.index_cast %mul3A_326 : i32 to index
        %swap3A_328 = tpu.vector_load %arg6[%swap3A_327] {strides = array<i32>} : memref<2048xi32, #tpu.memory_space<vmem>>, vector<16xi32>,
        %swap3A_329 = vector.shape_cast %swap3A_328 : vector<16xi32> to vector<16xi32>
        %swap3A_330 = vector.shape_cast %select_n3A_320 : vector<16xi32> to vector<16xi32>
        tpu.vector_store %arg6[%swap3A_327], %swap3A_330 {strides = array<i32>} : memref<2048xi32, #tpu.memory_space<vmem>>, vector<16xi32>,
        %max3A_331 = arith.maximumf %max3A_303, %get3A_312 : vector<16xf32>
        %mul3A_332 = arith.constant 8 : i32
        %mul3A_333 = arith.muli %scan3A_192, %mul3A_332 : i32
        %add3A_334 = arith.constant 5 : i32
        %add3A_335 = arith.addi %mul3A_333, %add3A_334 : i32
        %mul3A_336 = arith.constant 16 : i32
        %mul3A_337 = arith.muli %add3A_335, %mul3A_336 : i32
        %get3A_338 = arith.index_cast %mul3A_337 : i32 to index
        %get3A_339 = tpu.vector_load %arg5[%get3A_338] {strides = array<i32>} : memref<2048xf32, #tpu.memory_space<vmem>>, vector<16xf32>,
        %get3A_340 = vector.shape_cast %get3A_339 : vector<16xf32> to vector<16xf32>
        %bitcast_convert_type3A_341 = tpu.bitcast %get3A_340 : vector<16xf32> -> vector<16xi32>
        %ge3A_342 = arith.constant 0 : i32
        %ge3A_343 = vector.broadcast %ge3A_342 : i32 to vector<16xi32>
        %ge3A_344 = arith.cmpi sge, %bitcast_convert_type3A_341, %ge3A_343 : vector<16xi32>
        %sub3A_345 = arith.constant -2147483648 : i32
        %sub3A_346 = vector.broadcast %sub3A_345 : i32 to vector<16xi32>
        %sub3A_347 = arith.subi %sub3A_346, %bitcast_convert_type3A_341 : vector<16xi32>
        %select_n3A_348 = arith.select %ge3A_344, %bitcast_convert_type3A_341, %sub3A_347 : vector<16xi1>, vector<16xi32>
        %mul3A_349 = arith.constant 8 : i32
        %mul3A_350 = arith.muli %scan3A_192, %mul3A_349 : i32
        %add3A_351 = arith.constant 5 : i32
        %add3A_352 = arith.addi %mul3A_350, %add3A_351 : i32
        %mul3A_353 = arith.constant 16 : i32
        %mul3A_354 = arith.muli %add3A_352, %mul3A_353 : i32
        %swap3A_355 = arith.index_cast %mul3A_354 : i32 to index
        %swap3A_356 = tpu.vector_load %arg6[%swap3A_355] {strides = array<i32>} : memref<2048xi32, #tpu.memory_space<vmem>>, vector<16xi32>,
        %swap3A_357 = vector.shape_cast %swap3A_356 : vector<16xi32> to vector<16xi32>
        %swap3A_358 = vector.shape_cast %select_n3A_348 : vector<16xi32> to vector<16xi32>
        tpu.vector_store %arg6[%swap3A_355], %swap3A_358 {strides = array<i32>} : memref<2048xi32, #tpu.memory_space<vmem>>, vector<16xi32>,
        %max3A_359 = arith.maximumf %max3A_331, %get3A_340 : vector<16xf32>
        %mul3A_360 = arith.constant 8 : i32
        %mul3A_361 = arith.muli %scan3A_192, %mul3A_360 : i32
        %add3A_362 = arith.constant 6 : i32
        %add3A_363 = arith.addi %mul3A_361, %add3A_362 : i32
        %mul3A_364 = arith.constant 16 : i32
        %mul3A_365 = arith.muli %add3A_363, %mul3A_364 : i32
        %get3A_366 = arith.index_cast %mul3A_365 : i32 to index
        %get3A_367 = tpu.vector_load %arg5[%get3A_366] {strides = array<i32>} : memref<2048xf32, #tpu.memory_space<vmem>>, vector<16xf32>,
        %get3A_368 = vector.shape_cast %get3A_367 : vector<16xf32> to vector<16xf32>
        %bitcast_convert_type3A_369 = tpu.bitcast %get3A_368 : vector<16xf32> -> vector<16xi32>
        %ge3A_370 = arith.constant 0 : i32
        %ge3A_371 = vector.broadcast %ge3A_370 : i32 to vector<16xi32>
        %ge3A_372 = arith.cmpi sge, %bitcast_convert_type3A_369, %ge3A_371 : vector<16xi32>
        %sub3A_373 = arith.constant -2147483648 : i32
        %sub3A_374 = vector.broadcast %sub3A_373 : i32 to vector<16xi32>
        %sub3A_375 = arith.subi %sub3A_374, %bitcast_convert_type3A_369 : vector<16xi32>
        %select_n3A_376 = arith.select %ge3A_372, %bitcast_convert_type3A_369, %sub3A_375 : vector<16xi1>, vector<16xi32>
        %mul3A_377 = arith.constant 8 : i32
        %mul3A_378 = arith.muli %scan3A_192, %mul3A_377 : i32
        %add3A_379 = arith.constant 6 : i32
        %add3A_380 = arith.addi %mul3A_378, %add3A_379 : i32
        %mul3A_381 = arith.constant 16 : i32
        %mul3A_382 = arith.muli %add3A_380, %mul3A_381 : i32
        %swap3A_383 = arith.index_cast %mul3A_382 : i32 to index
        %swap3A_384 = tpu.vector_load %arg6[%swap3A_383] {strides = array<i32>} : memref<2048xi32, #tpu.memory_space<vmem>>, vector<16xi32>,
        %swap3A_385 = vector.shape_cast %swap3A_384 : vector<16xi32> to vector<16xi32>
        %swap3A_386 = vector.shape_cast %select_n3A_376 : vector<16xi32> to vector<16xi32>
        tpu.vector_store %arg6[%swap3A_383], %swap3A_386 {strides = array<i32>} : memref<2048xi32, #tpu.memory_space<vmem>>, vector<16xi32>,
        %max3A_387 = arith.maximumf %max3A_359, %get3A_368 : vector<16xf32>
        %mul3A_388 = arith.constant 8 : i32
        %mul3A_389 = arith.muli %scan3A_192, %mul3A_388 : i32
        %add3A_390 = arith.constant 7 : i32
        %add3A_391 = arith.addi %mul3A_389, %add3A_390 : i32
        %mul3A_392 = arith.constant 16 : i32
        %mul3A_393 = arith.muli %add3A_391, %mul3A_392 : i32
        %get3A_394 = arith.index_cast %mul3A_393 : i32 to index
        %get3A_395 = tpu.vector_load %arg5[%get3A_394] {strides = array<i32>} : memref<2048xf32, #tpu.memory_space<vmem>>, vector<16xf32>,
        %get3A_396 = vector.shape_cast %get3A_395 : vector<16xf32> to vector<16xf32>
        %bitcast_convert_type3A_397 = tpu.bitcast %get3A_396 : vector<16xf32> -> vector<16xi32>
        %ge3A_398 = arith.constant 0 : i32
        %ge3A_399 = vector.broadcast %ge3A_398 : i32 to vector<16xi32>
        %ge3A_400 = arith.cmpi sge, %bitcast_convert_type3A_397, %ge3A_399 : vector<16xi32>
        %sub3A_401 = arith.constant -2147483648 : i32
        %sub3A_402 = vector.broadcast %sub3A_401 : i32 to vector<16xi32>
        %sub3A_403 = arith.subi %sub3A_402, %bitcast_convert_type3A_397 : vector<16xi32>
        %select_n3A_404 = arith.select %ge3A_400, %bitcast_convert_type3A_397, %sub3A_403 : vector<16xi1>, vector<16xi32>
        %mul3A_405 = arith.constant 8 : i32
        %mul3A_406 = arith.muli %scan3A_192, %mul3A_405 : i32
        %add3A_407 = arith.constant 7 : i32
        %add3A_408 = arith.addi %mul3A_406, %add3A_407 : i32
        %mul3A_409 = arith.constant 16 : i32
        %mul3A_410 = arith.muli %add3A_408, %mul3A_409 : i32
        %swap3A_411 = arith.index_cast %mul3A_410 : i32 to index
        %swap3A_412 = tpu.vector_load %arg6[%swap3A_411] {strides = array<i32>} : memref<2048xi32, #tpu.memory_space<vmem>>, vector<16xi32>,
        %swap3A_413 = vector.shape_cast %swap3A_412 : vector<16xi32> to vector<16xi32>
        %swap3A_414 = vector.shape_cast %select_n3A_404 : vector<16xi32> to vector<16xi32>
        tpu.vector_store %arg6[%swap3A_411], %swap3A_414 {strides = array<i32>} : memref<2048xi32, #tpu.memory_space<vmem>>, vector<16xi32>,
        %max3A_415 = arith.maximumf %max3A_387, %get3A_396 : vector<16xf32>
        scf.yield %max3A_415 : vector<16xf32>
      }
      %scan3A_10 = arith.constant 16 : i32
      %iota3A = tpu.iota {dimensions = array<i32: 0>} : vector<16xi32>
      %xor3A = arith.constant 1 : i32
      %xor3A_11 = vector.broadcast %xor3A : i32 to vector<16xi32>
      %xor3A_12 = arith.xori %iota3A, %xor3A_11 : vector<16xi32>
      %lt3A_13 = arith.constant 0 : i32
      %lt3A_14 = vector.broadcast %lt3A_13 : i32 to vector<16xi32>
      %lt3A_15 = arith.cmpi slt, %xor3A_12, %lt3A_14 : vector<16xi32>
      %add3A_16 = arith.constant 16 : i32
      %add3A_17 = vector.broadcast %add3A_16 : i32 to vector<16xi32>
      %add3A_18 = arith.addi %xor3A_12, %add3A_17 : vector<16xi32>
      %select_n3A = arith.select %lt3A_15, %add3A_18, %xor3A_12 : vector<16xi1>, vector<16xi32>
      %broadcast_in_dim3A_19 = vector.shape_cast %select_n3A : vector<16xi32> to vector<16x1xi32>
      %gather3A = vector.shape_cast %broadcast_in_dim3A_19 : vector<16x1xi32> to vector<16xi32>
      %gather3A_20 = tpu.dynamic_gather %scan3A_9[%gather3A] in [0] : vector<16xf32>, vector<16xi32> -> vector<16xf32>
      %max3A = arith.maximumf %scan3A_9, %gather3A_20 : vector<16xf32>
      %xor3A_21 = arith.constant 2 : i32
      %xor3A_22 = vector.broadcast %xor3A_21 : i32 to vector<16xi32>
      %xor3A_23 = arith.xori %iota3A, %xor3A_22 : vector<16xi32>
      %lt3A_24 = arith.constant 0 : i32
      %lt3A_25 = vector.broadcast %lt3A_24 : i32 to vector<16xi32>
      %lt3A_26 = arith.cmpi slt, %xor3A_23, %lt3A_25 : vector<16xi32>
      %add3A_27 = arith.constant 16 : i32
      %add3A_28 = vector.broadcast %add3A_27 : i32 to vector<16xi32>
      %add3A_29 = arith.addi %xor3A_23, %add3A_28 : vector<16xi32>
      %select_n3A_30 = arith.select %lt3A_26, %add3A_29, %xor3A_23 : vector<16xi1>, vector<16xi32>
      %broadcast_in_dim3A_31 = vector.shape_cast %select_n3A_30 : vector<16xi32> to vector<16x1xi32>
      %gather3A_32 = vector.shape_cast %broadcast_in_dim3A_31 : vector<16x1xi32> to vector<16xi32>
      %gather3A_33 = tpu.dynamic_gather %max3A[%gather3A_32] in [0] : vector<16xf32>, vector<16xi32> -> vector<16xf32>
      %max3A_34 = arith.maximumf %max3A, %gather3A_33 : vector<16xf32>
      %xor3A_35 = arith.constant 4 : i32
      %xor3A_36 = vector.broadcast %xor3A_35 : i32 to vector<16xi32>
      %xor3A_37 = arith.xori %iota3A, %xor3A_36 : vector<16xi32>
      %lt3A_38 = arith.constant 0 : i32
      %lt3A_39 = vector.broadcast %lt3A_38 : i32 to vector<16xi32>
      %lt3A_40 = arith.cmpi slt, %xor3A_37, %lt3A_39 : vector<16xi32>
      %add3A_41 = arith.constant 16 : i32
      %add3A_42 = vector.broadcast %add3A_41 : i32 to vector<16xi32>
      %add3A_43 = arith.addi %xor3A_37, %add3A_42 : vector<16xi32>
      %select_n3A_44 = arith.select %lt3A_40, %add3A_43, %xor3A_37 : vector<16xi1>, vector<16xi32>
      %broadcast_in_dim3A_45 = vector.shape_cast %select_n3A_44 : vector<16xi32> to vector<16x1xi32>
      %gather3A_46 = vector.shape_cast %broadcast_in_dim3A_45 : vector<16x1xi32> to vector<16xi32>
      %gather3A_47 = tpu.dynamic_gather %max3A_34[%gather3A_46] in [0] : vector<16xf32>, vector<16xi32> -> vector<16xf32>
      %max3A_48 = arith.maximumf %max3A_34, %gather3A_47 : vector<16xf32>
      %xor3A_49 = arith.constant 8 : i32
      %xor3A_50 = vector.broadcast %xor3A_49 : i32 to vector<16xi32>
      %xor3A_51 = arith.xori %iota3A, %xor3A_50 : vector<16xi32>
      %lt3A_52 = arith.constant 0 : i32
      %lt3A_53 = vector.broadcast %lt3A_52 : i32 to vector<16xi32>
      %lt3A_54 = arith.cmpi slt, %xor3A_51, %lt3A_53 : vector<16xi32>
      %add3A_55 = arith.constant 16 : i32
      %add3A_56 = vector.broadcast %add3A_55 : i32 to vector<16xi32>
      %add3A_57 = arith.addi %xor3A_51, %add3A_56 : vector<16xi32>
      %select_n3A_58 = arith.select %lt3A_54, %add3A_57, %xor3A_51 : vector<16xi1>, vector<16xi32>
      %broadcast_in_dim3A_59 = vector.shape_cast %select_n3A_58 : vector<16xi32> to vector<16x1xi32>
      %gather3A_60 = vector.shape_cast %broadcast_in_dim3A_59 : vector<16x1xi32> to vector<16xi32>
      %gather3A_61 = tpu.dynamic_gather %max3A_48[%gather3A_60] in [0] : vector<16xf32>, vector<16xi32> -> vector<16xf32>
      %max3A_62 = arith.maximumf %max3A_48, %gather3A_61 : vector<16xf32>
      %broadcast_in_dim3A_63 = arith.constant 0.000000e+00 : f32
      %broadcast_in_dim3A_64 = vector.broadcast %broadcast_in_dim3A_63 : f32 to vector<16xf32>
      %scan3A_65 = arith.constant 0 : i32
      %scan3A_66 = arith.constant 16 : i32
      %scan3A_67 = arith.addi %scan3A_65, %scan3A_66 : i32
      %scan3A_68 = arith.constant 1 : i32
      %scan3A_69 = scf.for %scan3A_192 = %scan3A_65 to %scan3A_67 step %scan3A_68 iter_args(%scan3A_193 = %broadcast_in_dim3A_64) -> (vector<16xf32>)  : i32 {
        %mul3A_194 = arith.constant 8 : i32
        %mul3A_195 = arith.muli %scan3A_192, %mul3A_194 : i32
        %add3A_196 = arith.constant 0 : i32
        %add3A_197 = arith.addi %mul3A_195, %add3A_196 : i32
        %mul3A_198 = arith.constant 16 : i32
        %mul3A_199 = arith.muli %add3A_197, %mul3A_198 : i32
        %get3A_200 = arith.index_cast %mul3A_199 : i32 to index
        %get3A_201 = tpu.vector_load %arg5[%get3A_200] {strides = array<i32>} : memref<2048xf32, #tpu.memory_space<vmem>>, vector<16xf32>,
        %get3A_202 = vector.shape_cast %get3A_201 : vector<16xf32> to vector<16xf32>
        %sub3A_203 = arith.subf %get3A_202, %max3A_62 : vector<16xf32>
        %exp3A = math.exp %sub3A_203 : vector<16xf32>
        %add3A_204 = arith.addf %scan3A_193, %exp3A : vector<16xf32>
        %mul3A_205 = arith.constant 8 : i32
        %mul3A_206 = arith.muli %scan3A_192, %mul3A_205 : i32
        %add3A_207 = arith.constant 1 : i32
        %add3A_208 = arith.addi %mul3A_206, %add3A_207 : i32
        %mul3A_209 = arith.constant 16 : i32
        %mul3A_210 = arith.muli %add3A_208, %mul3A_209 : i32
        %get3A_211 = arith.index_cast %mul3A_210 : i32 to index
        %get3A_212 = tpu.vector_load %arg5[%get3A_211] {strides = array<i32>} : memref<2048xf32, #tpu.memory_space<vmem>>, vector<16xf32>,
        %get3A_213 = vector.shape_cast %get3A_212 : vector<16xf32> to vector<16xf32>
        %sub3A_214 = arith.subf %get3A_213, %max3A_62 : vector<16xf32>
        %exp3A_215 = math.exp %sub3A_214 : vector<16xf32>
        %add3A_216 = arith.addf %add3A_204, %exp3A_215 : vector<16xf32>
        %mul3A_217 = arith.constant 8 : i32
        %mul3A_218 = arith.muli %scan3A_192, %mul3A_217 : i32
        %add3A_219 = arith.constant 2 : i32
        %add3A_220 = arith.addi %mul3A_218, %add3A_219 : i32
        %mul3A_221 = arith.constant 16 : i32
        %mul3A_222 = arith.muli %add3A_220, %mul3A_221 : i32
        %get3A_223 = arith.index_cast %mul3A_222 : i32 to index
        %get3A_224 = tpu.vector_load %arg5[%get3A_223] {strides = array<i32>} : memref<2048xf32, #tpu.memory_space<vmem>>, vector<16xf32>,
        %get3A_225 = vector.shape_cast %get3A_224 : vector<16xf32> to vector<16xf32>
        %sub3A_226 = arith.subf %get3A_225, %max3A_62 : vector<16xf32>
        %exp3A_227 = math.exp %sub3A_226 : vector<16xf32>
        %add3A_228 = arith.addf %add3A_216, %exp3A_227 : vector<16xf32>
        %mul3A_229 = arith.constant 8 : i32
        %mul3A_230 = arith.muli %scan3A_192, %mul3A_229 : i32
        %add3A_231 = arith.constant 3 : i32
        %add3A_232 = arith.addi %mul3A_230, %add3A_231 : i32
        %mul3A_233 = arith.constant 16 : i32
        %mul3A_234 = arith.muli %add3A_232, %mul3A_233 : i32
        %get3A_235 = arith.index_cast %mul3A_234 : i32 to index
        %get3A_236 = tpu.vector_load %arg5[%get3A_235] {strides = array<i32>} : memref<2048xf32, #tpu.memory_space<vmem>>, vector<16xf32>,
        %get3A_237 = vector.shape_cast %get3A_236 : vector<16xf32> to vector<16xf32>
        %sub3A_238 = arith.subf %get3A_237, %max3A_62 : vector<16xf32>
        %exp3A_239 = math.exp %sub3A_238 : vector<16xf32>
        %add3A_240 = arith.addf %add3A_228, %exp3A_239 : vector<16xf32>
        %mul3A_241 = arith.constant 8 : i32
        %mul3A_242 = arith.muli %scan3A_192, %mul3A_241 : i32
        %add3A_243 = arith.constant 4 : i32
        %add3A_244 = arith.addi %mul3A_242, %add3A_243 : i32
        %mul3A_245 = arith.constant 16 : i32
        %mul3A_246 = arith.muli %add3A_244, %mul3A_245 : i32
        %get3A_247 = arith.index_cast %mul3A_246 : i32 to index
        %get3A_248 = tpu.vector_load %arg5[%get3A_247] {strides = array<i32>} : memref<2048xf32, #tpu.memory_space<vmem>>, vector<16xf32>,
        %get3A_249 = vector.shape_cast %get3A_248 : vector<16xf32> to vector<16xf32>
        %sub3A_250 = arith.subf %get3A_249, %max3A_62 : vector<16xf32>
        %exp3A_251 = math.exp %sub3A_250 : vector<16xf32>
        %add3A_252 = arith.addf %add3A_240, %exp3A_251 : vector<16xf32>
        %mul3A_253 = arith.constant 8 : i32
        %mul3A_254 = arith.muli %scan3A_192, %mul3A_253 : i32
        %add3A_255 = arith.constant 5 : i32
        %add3A_256 = arith.addi %mul3A_254, %add3A_255 : i32
        %mul3A_257 = arith.constant 16 : i32
        %mul3A_258 = arith.muli %add3A_256, %mul3A_257 : i32
        %get3A_259 = arith.index_cast %mul3A_258 : i32 to index
        %get3A_260 = tpu.vector_load %arg5[%get3A_259] {strides = array<i32>} : memref<2048xf32, #tpu.memory_space<vmem>>, vector<16xf32>,
        %get3A_261 = vector.shape_cast %get3A_260 : vector<16xf32> to vector<16xf32>
        %sub3A_262 = arith.subf %get3A_261, %max3A_62 : vector<16xf32>
        %exp3A_263 = math.exp %sub3A_262 : vector<16xf32>
        %add3A_264 = arith.addf %add3A_252, %exp3A_263 : vector<16xf32>
        %mul3A_265 = arith.constant 8 : i32
        %mul3A_266 = arith.muli %scan3A_192, %mul3A_265 : i32
        %add3A_267 = arith.constant 6 : i32
        %add3A_268 = arith.addi %mul3A_266, %add3A_267 : i32
        %mul3A_269 = arith.constant 16 : i32
        %mul3A_270 = arith.muli %add3A_268, %mul3A_269 : i32
        %get3A_271 = arith.index_cast %mul3A_270 : i32 to index
        %get3A_272 = tpu.vector_load %arg5[%get3A_271] {strides = array<i32>} : memref<2048xf32, #tpu.memory_space<vmem>>, vector<16xf32>,
        %get3A_273 = vector.shape_cast %get3A_272 : vector<16xf32> to vector<16xf32>
        %sub3A_274 = arith.subf %get3A_273, %max3A_62 : vector<16xf32>
        %exp3A_275 = math.exp %sub3A_274 : vector<16xf32>
        %add3A_276 = arith.addf %add3A_264, %exp3A_275 : vector<16xf32>
        %mul3A_277 = arith.constant 8 : i32
        %mul3A_278 = arith.muli %scan3A_192, %mul3A_277 : i32
        %add3A_279 = arith.constant 7 : i32
        %add3A_280 = arith.addi %mul3A_278, %add3A_279 : i32
        %mul3A_281 = arith.constant 16 : i32
        %mul3A_282 = arith.muli %add3A_280, %mul3A_281 : i32
        %get3A_283 = arith.index_cast %mul3A_282 : i32 to index
        %get3A_284 = tpu.vector_load %arg5[%get3A_283] {strides = array<i32>} : memref<2048xf32, #tpu.memory_space<vmem>>, vector<16xf32>,
        %get3A_285 = vector.shape_cast %get3A_284 : vector<16xf32> to vector<16xf32>
        %sub3A_286 = arith.subf %get3A_285, %max3A_62 : vector<16xf32>
        %exp3A_287 = math.exp %sub3A_286 : vector<16xf32>
        %add3A_288 = arith.addf %add3A_276, %exp3A_287 : vector<16xf32>
        scf.yield %add3A_288 : vector<16xf32>
      }
      %scan3A_70 = arith.constant 16 : i32
      %iota3A_71 = tpu.iota {dimensions = array<i32: 0>} : vector<16xi32>
      %xor3A_72 = arith.constant 1 : i32
      %xor3A_73 = vector.broadcast %xor3A_72 : i32 to vector<16xi32>
      %xor3A_74 = arith.xori %iota3A_71, %xor3A_73 : vector<16xi32>
      %lt3A_75 = arith.constant 0 : i32
      %lt3A_76 = vector.broadcast %lt3A_75 : i32 to vector<16xi32>
      %lt3A_77 = arith.cmpi slt, %xor3A_74, %lt3A_76 : vector<16xi32>
      %add3A_78 = arith.constant 16 : i32
      %add3A_79 = vector.broadcast %add3A_78 : i32 to vector<16xi32>
      %add3A_80 = arith.addi %xor3A_74, %add3A_79 : vector<16xi32>
      %select_n3A_81 = arith.select %lt3A_77, %add3A_80, %xor3A_74 : vector<16xi1>, vector<16xi32>
      %broadcast_in_dim3A_82 = vector.shape_cast %select_n3A_81 : vector<16xi32> to vector<16x1xi32>
      %gather3A_83 = vector.shape_cast %broadcast_in_dim3A_82 : vector<16x1xi32> to vector<16xi32>
      %gather3A_84 = tpu.dynamic_gather %scan3A_69[%gather3A_83] in [0] : vector<16xf32>, vector<16xi32> -> vector<16xf32>
      %add3A_85 = arith.addf %scan3A_69, %gather3A_84 : vector<16xf32>
      %xor3A_86 = arith.constant 2 : i32
      %xor3A_87 = vector.broadcast %xor3A_86 : i32 to vector<16xi32>
      %xor3A_88 = arith.xori %iota3A_71, %xor3A_87 : vector<16xi32>
      %lt3A_89 = arith.constant 0 : i32
      %lt3A_90 = vector.broadcast %lt3A_89 : i32 to vector<16xi32>
      %lt3A_91 = arith.cmpi slt, %xor3A_88, %lt3A_90 : vector<16xi32>
      %add3A_92 = arith.constant 16 : i32
      %add3A_93 = vector.broadcast %add3A_92 : i32 to vector<16xi32>
      %add3A_94 = arith.addi %xor3A_88, %add3A_93 : vector<16xi32>
      %select_n3A_95 = arith.select %lt3A_91, %add3A_94, %xor3A_88 : vector<16xi1>, vector<16xi32>
      %broadcast_in_dim3A_96 = vector.shape_cast %select_n3A_95 : vector<16xi32> to vector<16x1xi32>
      %gather3A_97 = vector.shape_cast %broadcast_in_dim3A_96 : vector<16x1xi32> to vector<16xi32>
      %gather3A_98 = tpu.dynamic_gather %add3A_85[%gather3A_97] in [0] : vector<16xf32>, vector<16xi32> -> vector<16xf32>
      %add3A_99 = arith.addf %add3A_85, %gather3A_98 : vector<16xf32>
      %xor3A_100 = arith.constant 4 : i32
      %xor3A_101 = vector.broadcast %xor3A_100 : i32 to vector<16xi32>
      %xor3A_102 = arith.xori %iota3A_71, %xor3A_101 : vector<16xi32>
      %lt3A_103 = arith.constant 0 : i32
      %lt3A_104 = vector.broadcast %lt3A_103 : i32 to vector<16xi32>
      %lt3A_105 = arith.cmpi slt, %xor3A_102, %lt3A_104 : vector<16xi32>
      %add3A_106 = arith.constant 16 : i32
      %add3A_107 = vector.broadcast %add3A_106 : i32 to vector<16xi32>
      %add3A_108 = arith.addi %xor3A_102, %add3A_107 : vector<16xi32>
      %select_n3A_109 = arith.select %lt3A_105, %add3A_108, %xor3A_102 : vector<16xi1>, vector<16xi32>
      %broadcast_in_dim3A_110 = vector.shape_cast %select_n3A_109 : vector<16xi32> to vector<16x1xi32>
      %gather3A_111 = vector.shape_cast %broadcast_in_dim3A_110 : vector<16x1xi32> to vector<16xi32>
      %gather3A_112 = tpu.dynamic_gather %add3A_99[%gather3A_111] in [0] : vector<16xf32>, vector<16xi32> -> vector<16xf32>
      %add3A_113 = arith.addf %add3A_99, %gather3A_112 : vector<16xf32>
      %xor3A_114 = arith.constant 8 : i32
      %xor3A_115 = vector.broadcast %xor3A_114 : i32 to vector<16xi32>
      %xor3A_116 = arith.xori %iota3A_71, %xor3A_115 : vector<16xi32>
      %lt3A_117 = arith.constant 0 : i32
      %lt3A_118 = vector.broadcast %lt3A_117 : i32 to vector<16xi32>
      %lt3A_119 = arith.cmpi slt, %xor3A_116, %lt3A_118 : vector<16xi32>
      %add3A_120 = arith.constant 16 : i32
      %add3A_121 = vector.broadcast %add3A_120 : i32 to vector<16xi32>
      %add3A_122 = arith.addi %xor3A_116, %add3A_121 : vector<16xi32>
      %select_n3A_123 = arith.select %lt3A_119, %add3A_122, %xor3A_116 : vector<16xi1>, vector<16xi32>
      %broadcast_in_dim3A_124 = vector.shape_cast %select_n3A_123 : vector<16xi32> to vector<16x1xi32>
      %gather3A_125 = vector.shape_cast %broadcast_in_dim3A_124 : vector<16x1xi32> to vector<16xi32>
      %gather3A_126 = tpu.dynamic_gather %add3A_113[%gather3A_125] in [0] : vector<16xf32>, vector<16xi32> -> vector<16xf32>
      %add3A_127 = arith.addf %add3A_113, %gather3A_126 : vector<16xf32>
      %bitcast_convert_type3A = tpu.bitcast %add3A_127 : vector<16xf32> -> vector<16xi32>
      %shift_right_arithmetic3A = arith.constant 23 : i32
      %shift_right_arithmetic3A_128 = vector.broadcast %shift_right_arithmetic3A : i32 to vector<16xi32>
      %shift_right_arithmetic3A_129 = arith.shrsi %bitcast_convert_type3A, %shift_right_arithmetic3A_128 : vector<16xi32>
      %sub3A = arith.constant 127 : i32
      %sub3A_130 = vector.broadcast %sub3A : i32 to vector<16xi32>
      %sub3A_131 = arith.subi %shift_right_arithmetic3A_129, %sub3A_130 : vector<16xi32>
      %convert_element_type3A_132 = arith.sitofp %sub3A_131 : vector<16xi32> to vector<16xf32>
      %and3A = arith.constant 8388607 : i32
      %and3A_133 = vector.broadcast %and3A : i32 to vector<16xi32>
      %and3A_134 = arith.andi %bitcast_convert_type3A, %and3A_133 : vector<16xi32>
      %or3A = arith.constant 1065353216 : i32
      %or3A_135 = vector.broadcast %or3A : i32 to vector<16xi32>
      %or3A_136 = arith.ori %and3A_134, %or3A_135 : vector<16xi32>
      %bitcast_convert_type3A_137 = tpu.bitcast %or3A_136 : vector<16xi32> -> vector<16xf32>
      %sub3A_138 = arith.constant 1.000000e+00 : f32
      %sub3A_139 = vector.broadcast %sub3A_138 : f32 to vector<16xf32>
      %sub3A_140 = arith.subf %bitcast_convert_type3A_137, %sub3A_139 : vector<16xf32>
      %add3A_141 = arith.constant 1.000000e+00 : f32
      %add3A_142 = vector.broadcast %add3A_141 : f32 to vector<16xf32>
      %add3A_143 = arith.addf %bitcast_convert_type3A_137, %add3A_142 : vector<16xf32>
      %div3A = arith.divf %sub3A_140, %add3A_143 : vector<16xf32>
      %mul3A_144 = arith.mulf %div3A, %div3A : vector<16xf32>
      %mul3A_145 = arith.constant 0.181818187 : f32
      %mul3A_146 = vector.broadcast %mul3A_145 : f32 to vector<16xf32>
      %mul3A_147 = arith.mulf %mul3A_144, %mul3A_146 : vector<16xf32>
      %add3A_148 = arith.constant 0.222222224 : f32
      %add3A_149 = vector.broadcast %add3A_148 : f32 to vector<16xf32>
      %add3A_150 = arith.addf %add3A_149, %mul3A_147 : vector<16xf32>
      %mul3A_151 = arith.mulf %mul3A_144, %add3A_150 : vector<16xf32>
      %add3A_152 = arith.constant 0.285714298 : f32
      %add3A_153 = vector.broadcast %add3A_152 : f32 to vector<16xf32>
      %add3A_154 = arith.addf %add3A_153, %mul3A_151 : vector<16xf32>
      %mul3A_155 = arith.mulf %mul3A_144, %add3A_154 : vector<16xf32>
      %add3A_156 = arith.constant 4.000000e-01 : f32
      %add3A_157 = vector.broadcast %add3A_156 : f32 to vector<16xf32>
      %add3A_158 = arith.addf %add3A_157, %mul3A_155 : vector<16xf32>
      %mul3A_159 = arith.mulf %mul3A_144, %add3A_158 : vector<16xf32>
      %add3A_160 = arith.constant 0.666666686 : f32
      %add3A_161 = vector.broadcast %add3A_160 : f32 to vector<16xf32>
      %add3A_162 = arith.addf %add3A_161, %mul3A_159 : vector<16xf32>
      %mul3A_163 = arith.mulf %mul3A_144, %add3A_162 : vector<16xf32>
      %add3A_164 = arith.constant 2.000000e+00 : f32
      %add3A_165 = vector.broadcast %add3A_164 : f32 to vector<16xf32>
      %add3A_166 = arith.addf %add3A_165, %mul3A_163 : vector<16xf32>
      %mul3A_167 = arith.mulf %div3A, %add3A_166 : vector<16xf32>
      %mul3A_168 = arith.constant 0.693147182 : f32
      %mul3A_169 = vector.broadcast %mul3A_168 : f32 to vector<16xf32>
      %mul3A_170 = arith.mulf %convert_element_type3A_132, %mul3A_169 : vector<16xf32>
      %add3A_171 = arith.addf %mul3A_170, %mul3A_167 : vector<16xf32>
      %add3A_172 = arith.addf %max3A_62, %add3A_171 : vector<16xf32>
      %broadcast_in_dim3A_173 = arith.constant 0 : i32
      %broadcast_in_dim3A_174 = vector.broadcast %broadcast_in_dim3A_173 : i32 to vector<16xi32>
      %broadcast_in_dim3A_175 = arith.constant -2147483648 : i32
      %broadcast_in_dim3A_176 = vector.broadcast %broadcast_in_dim3A_175 : i32 to vector<16xi32>
      %scan3A_177 = arith.constant 0 : i32
      %scan3A_178 = arith.constant 32 : i32
      %scan3A_179 = arith.addi %scan3A_177, %scan3A_178 : i32
      %scan3A_180 = arith.constant 1 : i32
      %scan3A_181:2 = scf.for %scan3A_192 = %scan3A_177 to %scan3A_179 step %scan3A_180 iter_args(%scan3A_193 = %broadcast_in_dim3A_174, %scan3A_194 = %broadcast_in_dim3A_176) -> (vector<16xi32>, vector<16xi32>)  : i32 {
        %or3A_195 = arith.ori %scan3A_193, %scan3A_194 : vector<16xi32>
        %xor3A_196 = arith.constant -2147483648 : i32
        %xor3A_197 = vector.broadcast %xor3A_196 : i32 to vector<16xi32>
        %xor3A_198 = arith.xori %or3A_195, %xor3A_197 : vector<16xi32>
        %broadcast_in_dim3A_199 = arith.constant 0 : i32
        %broadcast_in_dim3A_200 = vector.broadcast %broadcast_in_dim3A_199 : i32 to vector<16xi32>
        %scan3A_201 = arith.constant 0 : i32
        %scan3A_202 = arith.constant 16 : i32
        %scan3A_203 = arith.addi %scan3A_201, %scan3A_202 : i32
        %scan3A_204 = arith.constant 1 : i32
        %scan3A_205 = scf.for %scan3A_268 = %scan3A_201 to %scan3A_203 step %scan3A_204 iter_args(%scan3A_269 = %broadcast_in_dim3A_200) -> (vector<16xi32>)  : i32 {
          %mul3A_270 = arith.constant 8 : i32
          %mul3A_271 = arith.muli %scan3A_268, %mul3A_270 : i32
          %add3A_272 = arith.constant 0 : i32
          %add3A_273 = arith.addi %mul3A_271, %add3A_272 : i32
          %mul3A_274 = arith.constant 16 : i32
          %mul3A_275 = arith.muli %add3A_273, %mul3A_274 : i32
          %get3A_276 = arith.index_cast %mul3A_275 : i32 to index
          %get3A_277 = tpu.vector_load %arg6[%get3A_276] {strides = array<i32>} : memref<2048xi32, #tpu.memory_space<vmem>>, vector<16xi32>,
          %get3A_278 = vector.shape_cast %get3A_277 : vector<16xi32> to vector<16xi32>
          %ge3A_279 = arith.cmpi sge, %get3A_278, %xor3A_198 : vector<16xi32>
          %jit3A = arith.constant 1 : i32
          %jit3A_280 = arith.constant 0 : i32
          %broadcast_in_dim3A_281 = vector.broadcast %jit3A : i32 to vector<16xi32>
          %broadcast_in_dim3A_282 = vector.broadcast %jit3A_280 : i32 to vector<16xi32>
          %select_n3A_283 = arith.select %ge3A_279, %broadcast_in_dim3A_281, %broadcast_in_dim3A_282 : vector<16xi1>, vector<16xi32>
          %add3A_284 = arith.addi %scan3A_269, %select_n3A_283 : vector<16xi32>
          %mul3A_285 = arith.constant 8 : i32
          %mul3A_286 = arith.muli %scan3A_268, %mul3A_285 : i32
          %add3A_287 = arith.constant 1 : i32
          %add3A_288 = arith.addi %mul3A_286, %add3A_287 : i32
          %mul3A_289 = arith.constant 16 : i32
          %mul3A_290 = arith.muli %add3A_288, %mul3A_289 : i32
          %get3A_291 = arith.index_cast %mul3A_290 : i32 to index
          %get3A_292 = tpu.vector_load %arg6[%get3A_291] {strides = array<i32>} : memref<2048xi32, #tpu.memory_space<vmem>>, vector<16xi32>,
          %get3A_293 = vector.shape_cast %get3A_292 : vector<16xi32> to vector<16xi32>
          %ge3A_294 = arith.cmpi sge, %get3A_293, %xor3A_198 : vector<16xi32>
          %jit3A_295 = arith.constant 1 : i32
          %jit3A_296 = arith.constant 0 : i32
          %broadcast_in_dim3A_297 = vector.broadcast %jit3A_295 : i32 to vector<16xi32>
          %broadcast_in_dim3A_298 = vector.broadcast %jit3A_296 : i32 to vector<16xi32>
          %select_n3A_299 = arith.select %ge3A_294, %broadcast_in_dim3A_297, %broadcast_in_dim3A_298 : vector<16xi1>, vector<16xi32>
          %add3A_300 = arith.addi %add3A_284, %select_n3A_299 : vector<16xi32>
          %mul3A_301 = arith.constant 8 : i32
          %mul3A_302 = arith.muli %scan3A_268, %mul3A_301 : i32
          %add3A_303 = arith.constant 2 : i32
          %add3A_304 = arith.addi %mul3A_302, %add3A_303 : i32
          %mul3A_305 = arith.constant 16 : i32
          %mul3A_306 = arith.muli %add3A_304, %mul3A_305 : i32
          %get3A_307 = arith.index_cast %mul3A_306 : i32 to index
          %get3A_308 = tpu.vector_load %arg6[%get3A_307] {strides = array<i32>} : memref<2048xi32, #tpu.memory_space<vmem>>, vector<16xi32>,
          %get3A_309 = vector.shape_cast %get3A_308 : vector<16xi32> to vector<16xi32>
          %ge3A_310 = arith.cmpi sge, %get3A_309, %xor3A_198 : vector<16xi32>
          %jit3A_311 = arith.constant 1 : i32
          %jit3A_312 = arith.constant 0 : i32
          %broadcast_in_dim3A_313 = vector.broadcast %jit3A_311 : i32 to vector<16xi32>
          %broadcast_in_dim3A_314 = vector.broadcast %jit3A_312 : i32 to vector<16xi32>
          %select_n3A_315 = arith.select %ge3A_310, %broadcast_in_dim3A_313, %broadcast_in_dim3A_314 : vector<16xi1>, vector<16xi32>
          %add3A_316 = arith.addi %add3A_300, %select_n3A_315 : vector<16xi32>
          %mul3A_317 = arith.constant 8 : i32
          %mul3A_318 = arith.muli %scan3A_268, %mul3A_317 : i32
          %add3A_319 = arith.constant 3 : i32
          %add3A_320 = arith.addi %mul3A_318, %add3A_319 : i32
          %mul3A_321 = arith.constant 16 : i32
          %mul3A_322 = arith.muli %add3A_320, %mul3A_321 : i32
          %get3A_323 = arith.index_cast %mul3A_322 : i32 to index
          %get3A_324 = tpu.vector_load %arg6[%get3A_323] {strides = array<i32>} : memref<2048xi32, #tpu.memory_space<vmem>>, vector<16xi32>,
          %get3A_325 = vector.shape_cast %get3A_324 : vector<16xi32> to vector<16xi32>
          %ge3A_326 = arith.cmpi sge, %get3A_325, %xor3A_198 : vector<16xi32>
          %jit3A_327 = arith.constant 1 : i32
          %jit3A_328 = arith.constant 0 : i32
          %broadcast_in_dim3A_329 = vector.broadcast %jit3A_327 : i32 to vector<16xi32>
          %broadcast_in_dim3A_330 = vector.broadcast %jit3A_328 : i32 to vector<16xi32>
          %select_n3A_331 = arith.select %ge3A_326, %broadcast_in_dim3A_329, %broadcast_in_dim3A_330 : vector<16xi1>, vector<16xi32>
          %add3A_332 = arith.addi %add3A_316, %select_n3A_331 : vector<16xi32>
          %mul3A_333 = arith.constant 8 : i32
          %mul3A_334 = arith.muli %scan3A_268, %mul3A_333 : i32
          %add3A_335 = arith.constant 4 : i32
          %add3A_336 = arith.addi %mul3A_334, %add3A_335 : i32
          %mul3A_337 = arith.constant 16 : i32
          %mul3A_338 = arith.muli %add3A_336, %mul3A_337 : i32
          %get3A_339 = arith.index_cast %mul3A_338 : i32 to index
          %get3A_340 = tpu.vector_load %arg6[%get3A_339] {strides = array<i32>} : memref<2048xi32, #tpu.memory_space<vmem>>, vector<16xi32>,
          %get3A_341 = vector.shape_cast %get3A_340 : vector<16xi32> to vector<16xi32>
          %ge3A_342 = arith.cmpi sge, %get3A_341, %xor3A_198 : vector<16xi32>
          %jit3A_343 = arith.constant 1 : i32
          %jit3A_344 = arith.constant 0 : i32
          %broadcast_in_dim3A_345 = vector.broadcast %jit3A_343 : i32 to vector<16xi32>
          %broadcast_in_dim3A_346 = vector.broadcast %jit3A_344 : i32 to vector<16xi32>
          %select_n3A_347 = arith.select %ge3A_342, %broadcast_in_dim3A_345, %broadcast_in_dim3A_346 : vector<16xi1>, vector<16xi32>
          %add3A_348 = arith.addi %add3A_332, %select_n3A_347 : vector<16xi32>
          %mul3A_349 = arith.constant 8 : i32
          %mul3A_350 = arith.muli %scan3A_268, %mul3A_349 : i32
          %add3A_351 = arith.constant 5 : i32
          %add3A_352 = arith.addi %mul3A_350, %add3A_351 : i32
          %mul3A_353 = arith.constant 16 : i32
          %mul3A_354 = arith.muli %add3A_352, %mul3A_353 : i32
          %get3A_355 = arith.index_cast %mul3A_354 : i32 to index
          %get3A_356 = tpu.vector_load %arg6[%get3A_355] {strides = array<i32>} : memref<2048xi32, #tpu.memory_space<vmem>>, vector<16xi32>,
          %get3A_357 = vector.shape_cast %get3A_356 : vector<16xi32> to vector<16xi32>
          %ge3A_358 = arith.cmpi sge, %get3A_357, %xor3A_198 : vector<16xi32>
          %jit3A_359 = arith.constant 1 : i32
          %jit3A_360 = arith.constant 0 : i32
          %broadcast_in_dim3A_361 = vector.broadcast %jit3A_359 : i32 to vector<16xi32>
          %broadcast_in_dim3A_362 = vector.broadcast %jit3A_360 : i32 to vector<16xi32>
          %select_n3A_363 = arith.select %ge3A_358, %broadcast_in_dim3A_361, %broadcast_in_dim3A_362 : vector<16xi1>, vector<16xi32>
          %add3A_364 = arith.addi %add3A_348, %select_n3A_363 : vector<16xi32>
          %mul3A_365 = arith.constant 8 : i32
          %mul3A_366 = arith.muli %scan3A_268, %mul3A_365 : i32
          %add3A_367 = arith.constant 6 : i32
          %add3A_368 = arith.addi %mul3A_366, %add3A_367 : i32
          %mul3A_369 = arith.constant 16 : i32
          %mul3A_370 = arith.muli %add3A_368, %mul3A_369 : i32
          %get3A_371 = arith.index_cast %mul3A_370 : i32 to index
          %get3A_372 = tpu.vector_load %arg6[%get3A_371] {strides = array<i32>} : memref<2048xi32, #tpu.memory_space<vmem>>, vector<16xi32>,
          %get3A_373 = vector.shape_cast %get3A_372 : vector<16xi32> to vector<16xi32>
          %ge3A_374 = arith.cmpi sge, %get3A_373, %xor3A_198 : vector<16xi32>
          %jit3A_375 = arith.constant 1 : i32
          %jit3A_376 = arith.constant 0 : i32
          %broadcast_in_dim3A_377 = vector.broadcast %jit3A_375 : i32 to vector<16xi32>
          %broadcast_in_dim3A_378 = vector.broadcast %jit3A_376 : i32 to vector<16xi32>
          %select_n3A_379 = arith.select %ge3A_374, %broadcast_in_dim3A_377, %broadcast_in_dim3A_378 : vector<16xi1>, vector<16xi32>
          %add3A_380 = arith.addi %add3A_364, %select_n3A_379 : vector<16xi32>
          %mul3A_381 = arith.constant 8 : i32
          %mul3A_382 = arith.muli %scan3A_268, %mul3A_381 : i32
          %add3A_383 = arith.constant 7 : i32
          %add3A_384 = arith.addi %mul3A_382, %add3A_383 : i32
          %mul3A_385 = arith.constant 16 : i32
          %mul3A_386 = arith.muli %add3A_384, %mul3A_385 : i32
          %get3A_387 = arith.index_cast %mul3A_386 : i32 to index
          %get3A_388 = tpu.vector_load %arg6[%get3A_387] {strides = array<i32>} : memref<2048xi32, #tpu.memory_space<vmem>>, vector<16xi32>,
          %get3A_389 = vector.shape_cast %get3A_388 : vector<16xi32> to vector<16xi32>
          %ge3A_390 = arith.cmpi sge, %get3A_389, %xor3A_198 : vector<16xi32>
          %jit3A_391 = arith.constant 1 : i32
          %jit3A_392 = arith.constant 0 : i32
          %broadcast_in_dim3A_393 = vector.broadcast %jit3A_391 : i32 to vector<16xi32>
          %broadcast_in_dim3A_394 = vector.broadcast %jit3A_392 : i32 to vector<16xi32>
          %select_n3A_395 = arith.select %ge3A_390, %broadcast_in_dim3A_393, %broadcast_in_dim3A_394 : vector<16xi1>, vector<16xi32>
          %add3A_396 = arith.addi %add3A_380, %select_n3A_395 : vector<16xi32>
          scf.yield %add3A_396 : vector<16xi32>
        }
        %scan3A_206 = arith.constant 16 : i32
        %iota3A_207 = tpu.iota {dimensions = array<i32: 0>} : vector<16xi32>
        %xor3A_208 = arith.constant 1 : i32
        %xor3A_209 = vector.broadcast %xor3A_208 : i32 to vector<16xi32>
        %xor3A_210 = arith.xori %iota3A_207, %xor3A_209 : vector<16xi32>
        %lt3A_211 = arith.constant 0 : i32
        %lt3A_212 = vector.broadcast %lt3A_211 : i32 to vector<16xi32>
        %lt3A_213 = arith.cmpi slt, %xor3A_210, %lt3A_212 : vector<16xi32>
        %add3A_214 = arith.constant 16 : i32
        %add3A_215 = vector.broadcast %add3A_214 : i32 to vector<16xi32>
        %add3A_216 = arith.addi %xor3A_210, %add3A_215 : vector<16xi32>
        %select_n3A_217 = arith.select %lt3A_213, %add3A_216, %xor3A_210 : vector<16xi1>, vector<16xi32>
        %broadcast_in_dim3A_218 = vector.shape_cast %select_n3A_217 : vector<16xi32> to vector<16x1xi32>
        %gather3A_219 = vector.shape_cast %broadcast_in_dim3A_218 : vector<16x1xi32> to vector<16xi32>
        %gather3A_220 = tpu.dynamic_gather %scan3A_205[%gather3A_219] in [0] : vector<16xi32>, vector<16xi32> -> vector<16xi32>
        %add3A_221 = arith.addi %scan3A_205, %gather3A_220 : vector<16xi32>
        %xor3A_222 = arith.constant 2 : i32
        %xor3A_223 = vector.broadcast %xor3A_222 : i32 to vector<16xi32>
        %xor3A_224 = arith.xori %iota3A_207, %xor3A_223 : vector<16xi32>
        %lt3A_225 = arith.constant 0 : i32
        %lt3A_226 = vector.broadcast %lt3A_225 : i32 to vector<16xi32>
        %lt3A_227 = arith.cmpi slt, %xor3A_224, %lt3A_226 : vector<16xi32>
        %add3A_228 = arith.constant 16 : i32
        %add3A_229 = vector.broadcast %add3A_228 : i32 to vector<16xi32>
        %add3A_230 = arith.addi %xor3A_224, %add3A_229 : vector<16xi32>
        %select_n3A_231 = arith.select %lt3A_227, %add3A_230, %xor3A_224 : vector<16xi1>, vector<16xi32>
        %broadcast_in_dim3A_232 = vector.shape_cast %select_n3A_231 : vector<16xi32> to vector<16x1xi32>
        %gather3A_233 = vector.shape_cast %broadcast_in_dim3A_232 : vector<16x1xi32> to vector<16xi32>
        %gather3A_234 = tpu.dynamic_gather %add3A_221[%gather3A_233] in [0] : vector<16xi32>, vector<16xi32> -> vector<16xi32>
        %add3A_235 = arith.addi %add3A_221, %gather3A_234 : vector<16xi32>
        %xor3A_236 = arith.constant 4 : i32
        %xor3A_237 = vector.broadcast %xor3A_236 : i32 to vector<16xi32>
        %xor3A_238 = arith.xori %iota3A_207, %xor3A_237 : vector<16xi32>
        %lt3A_239 = arith.constant 0 : i32
        %lt3A_240 = vector.broadcast %lt3A_239 : i32 to vector<16xi32>
        %lt3A_241 = arith.cmpi slt, %xor3A_238, %lt3A_240 : vector<16xi32>
        %add3A_242 = arith.constant 16 : i32
        %add3A_243 = vector.broadcast %add3A_242 : i32 to vector<16xi32>
        %add3A_244 = arith.addi %xor3A_238, %add3A_243 : vector<16xi32>
        %select_n3A_245 = arith.select %lt3A_241, %add3A_244, %xor3A_238 : vector<16xi1>, vector<16xi32>
        %broadcast_in_dim3A_246 = vector.shape_cast %select_n3A_245 : vector<16xi32> to vector<16x1xi32>
        %gather3A_247 = vector.shape_cast %broadcast_in_dim3A_246 : vector<16x1xi32> to vector<16xi32>
        %gather3A_248 = tpu.dynamic_gather %add3A_235[%gather3A_247] in [0] : vector<16xi32>, vector<16xi32> -> vector<16xi32>
        %add3A_249 = arith.addi %add3A_235, %gather3A_248 : vector<16xi32>
        %xor3A_250 = arith.constant 8 : i32
        %xor3A_251 = vector.broadcast %xor3A_250 : i32 to vector<16xi32>
        %xor3A_252 = arith.xori %iota3A_207, %xor3A_251 : vector<16xi32>
        %lt3A_253 = arith.constant 0 : i32
        %lt3A_254 = vector.broadcast %lt3A_253 : i32 to vector<16xi32>
        %lt3A_255 = arith.cmpi slt, %xor3A_252, %lt3A_254 : vector<16xi32>
        %add3A_256 = arith.constant 16 : i32
        %add3A_257 = vector.broadcast %add3A_256 : i32 to vector<16xi32>
        %add3A_258 = arith.addi %xor3A_252, %add3A_257 : vector<16xi32>
        %select_n3A_259 = arith.select %lt3A_255, %add3A_258, %xor3A_252 : vector<16xi1>, vector<16xi32>
        %broadcast_in_dim3A_260 = vector.shape_cast %select_n3A_259 : vector<16xi32> to vector<16x1xi32>
        %gather3A_261 = vector.shape_cast %broadcast_in_dim3A_260 : vector<16x1xi32> to vector<16xi32>
        %gather3A_262 = tpu.dynamic_gather %add3A_249[%gather3A_261] in [0] : vector<16xi32>, vector<16xi32> -> vector<16xi32>
        %add3A_263 = arith.addi %add3A_249, %gather3A_262 : vector<16xi32>
        %ge3A = arith.cmpi sge, %add3A_263, %get3A_4 : vector<16xi32>
        %or3A_264 = arith.ori %scan3A_193, %scan3A_194 : vector<16xi32>
        %select_n3A_265 = arith.select %ge3A, %or3A_264, %scan3A_193 : vector<16xi1>, vector<16xi32>
        %shift_right_logical3A = arith.constant 1 : i32
        %shift_right_logical3A_266 = vector.broadcast %shift_right_logical3A : i32 to vector<16xi32>
        %shift_right_logical3A_267 = arith.shrui %scan3A_194, %shift_right_logical3A_266 : vector<16xi32>
        scf.yield %select_n3A_265, %shift_right_logical3A_267 : vector<16xi32>, vector<16xi32>
      }
      %scan3A_182 = arith.constant 32 : i32
      %xor3A_183 = arith.constant -2147483648 : i32
      %xor3A_184 = vector.broadcast %xor3A_183 : i32 to vector<16xi32>
      %xor3A_185 = arith.xori %scan3A_181#0, %xor3A_184 : vector<16xi32>
      %scan3A_186 = arith.constant 0 : i32
      %scan3A_187 = arith.constant 0 : i32
      %scan3A_188 = arith.constant 16 : i32
      %scan3A_189 = arith.addi %scan3A_187, %scan3A_188 : i32
      %scan3A_190 = arith.constant 1 : i32
      scf.for %scan3A_192 = %scan3A_187 to %scan3A_189 step %scan3A_190  : i32 {
        %mul3A_193 = arith.constant 8 : i32
        %mul3A_194 = arith.muli %scan3A_192, %mul3A_193 : i32
        %add3A_195 = arith.constant 0 : i32
        %add3A_196 = arith.addi %mul3A_194, %add3A_195 : i32
        %mul3A_197 = arith.constant 16 : i32
        %mul3A_198 = arith.muli %add3A_196, %mul3A_197 : i32
        %get3A_199 = arith.index_cast %mul3A_198 : i32 to index
        %get3A_200 = tpu.vector_load %arg5[%get3A_199] {strides = array<i32>} : memref<2048xf32, #tpu.memory_space<vmem>>, vector<16xf32>,
        %get3A_201 = vector.shape_cast %get3A_200 : vector<16xf32> to vector<16xf32>
        %mul3A_202 = arith.constant 8 : i32
        %mul3A_203 = arith.muli %scan3A_192, %mul3A_202 : i32
        %add3A_204 = arith.constant 0 : i32
        %add3A_205 = arith.addi %mul3A_203, %add3A_204 : i32
        %mul3A_206 = arith.constant 16 : i32
        %mul3A_207 = arith.muli %add3A_205, %mul3A_206 : i32
        %get3A_208 = arith.index_cast %mul3A_207 : i32 to index
        %get3A_209 = tpu.vector_load %arg6[%get3A_208] {strides = array<i32>} : memref<2048xi32, #tpu.memory_space<vmem>>, vector<16xi32>,
        %get3A_210 = vector.shape_cast %get3A_209 : vector<16xi32> to vector<16xi32>
        %ge3A = arith.cmpi sge, %get3A_210, %xor3A_185 : vector<16xi32>
        %sub3A_211 = arith.subf %get3A_201, %add3A_172 : vector<16xf32>
        %jit3A = arith.constant -1.000000e+09 : f32
        %broadcast_in_dim3A_212 = vector.broadcast %jit3A : f32 to vector<16xf32>
        %select_n3A_213 = arith.select %ge3A, %sub3A_211, %broadcast_in_dim3A_212 : vector<16xi1>, vector<16xf32>
        %mul3A_214 = arith.constant 8 : i32
        %mul3A_215 = arith.muli %scan3A_192, %mul3A_214 : i32
        %add3A_216 = arith.constant 0 : i32
        %add3A_217 = arith.addi %mul3A_215, %add3A_216 : i32
        %mul3A_218 = arith.constant 16 : i32
        %mul3A_219 = arith.muli %add3A_217, %mul3A_218 : i32
        %swap3A = arith.index_cast %mul3A_219 : i32 to index
        %swap3A_220 = tpu.vector_load %arg7[%swap3A] {strides = array<i32>} : memref<2048xf32, #tpu.memory_space<vmem>>, vector<16xf32>,
        %swap3A_221 = vector.shape_cast %swap3A_220 : vector<16xf32> to vector<16xf32>
        %swap3A_222 = vector.shape_cast %select_n3A_213 : vector<16xf32> to vector<16xf32>
        tpu.vector_store %arg7[%swap3A], %swap3A_222 {strides = array<i32>} : memref<2048xf32, #tpu.memory_space<vmem>>, vector<16xf32>,
        %mul3A_223 = arith.constant 8 : i32
        %mul3A_224 = arith.muli %scan3A_192, %mul3A_223 : i32
        %add3A_225 = arith.constant 1 : i32
        %add3A_226 = arith.addi %mul3A_224, %add3A_225 : i32
        %mul3A_227 = arith.constant 16 : i32
        %mul3A_228 = arith.muli %add3A_226, %mul3A_227 : i32
        %get3A_229 = arith.index_cast %mul3A_228 : i32 to index
        %get3A_230 = tpu.vector_load %arg5[%get3A_229] {strides = array<i32>} : memref<2048xf32, #tpu.memory_space<vmem>>, vector<16xf32>,
        %get3A_231 = vector.shape_cast %get3A_230 : vector<16xf32> to vector<16xf32>
        %mul3A_232 = arith.constant 8 : i32
        %mul3A_233 = arith.muli %scan3A_192, %mul3A_232 : i32
        %add3A_234 = arith.constant 1 : i32
        %add3A_235 = arith.addi %mul3A_233, %add3A_234 : i32
        %mul3A_236 = arith.constant 16 : i32
        %mul3A_237 = arith.muli %add3A_235, %mul3A_236 : i32
        %get3A_238 = arith.index_cast %mul3A_237 : i32 to index
        %get3A_239 = tpu.vector_load %arg6[%get3A_238] {strides = array<i32>} : memref<2048xi32, #tpu.memory_space<vmem>>, vector<16xi32>,
        %get3A_240 = vector.shape_cast %get3A_239 : vector<16xi32> to vector<16xi32>
        %ge3A_241 = arith.cmpi sge, %get3A_240, %xor3A_185 : vector<16xi32>
        %sub3A_242 = arith.subf %get3A_231, %add3A_172 : vector<16xf32>
        %jit3A_243 = arith.constant -1.000000e+09 : f32
        %broadcast_in_dim3A_244 = vector.broadcast %jit3A_243 : f32 to vector<16xf32>
        %select_n3A_245 = arith.select %ge3A_241, %sub3A_242, %broadcast_in_dim3A_244 : vector<16xi1>, vector<16xf32>
        %mul3A_246 = arith.constant 8 : i32
        %mul3A_247 = arith.muli %scan3A_192, %mul3A_246 : i32
        %add3A_248 = arith.constant 1 : i32
        %add3A_249 = arith.addi %mul3A_247, %add3A_248 : i32
        %mul3A_250 = arith.constant 16 : i32
        %mul3A_251 = arith.muli %add3A_249, %mul3A_250 : i32
        %swap3A_252 = arith.index_cast %mul3A_251 : i32 to index
        %swap3A_253 = tpu.vector_load %arg7[%swap3A_252] {strides = array<i32>} : memref<2048xf32, #tpu.memory_space<vmem>>, vector<16xf32>,
        %swap3A_254 = vector.shape_cast %swap3A_253 : vector<16xf32> to vector<16xf32>
        %swap3A_255 = vector.shape_cast %select_n3A_245 : vector<16xf32> to vector<16xf32>
        tpu.vector_store %arg7[%swap3A_252], %swap3A_255 {strides = array<i32>} : memref<2048xf32, #tpu.memory_space<vmem>>, vector<16xf32>,
        %mul3A_256 = arith.constant 8 : i32
        %mul3A_257 = arith.muli %scan3A_192, %mul3A_256 : i32
        %add3A_258 = arith.constant 2 : i32
        %add3A_259 = arith.addi %mul3A_257, %add3A_258 : i32
        %mul3A_260 = arith.constant 16 : i32
        %mul3A_261 = arith.muli %add3A_259, %mul3A_260 : i32
        %get3A_262 = arith.index_cast %mul3A_261 : i32 to index
        %get3A_263 = tpu.vector_load %arg5[%get3A_262] {strides = array<i32>} : memref<2048xf32, #tpu.memory_space<vmem>>, vector<16xf32>,
        %get3A_264 = vector.shape_cast %get3A_263 : vector<16xf32> to vector<16xf32>
        %mul3A_265 = arith.constant 8 : i32
        %mul3A_266 = arith.muli %scan3A_192, %mul3A_265 : i32
        %add3A_267 = arith.constant 2 : i32
        %add3A_268 = arith.addi %mul3A_266, %add3A_267 : i32
        %mul3A_269 = arith.constant 16 : i32
        %mul3A_270 = arith.muli %add3A_268, %mul3A_269 : i32
        %get3A_271 = arith.index_cast %mul3A_270 : i32 to index
        %get3A_272 = tpu.vector_load %arg6[%get3A_271] {strides = array<i32>} : memref<2048xi32, #tpu.memory_space<vmem>>, vector<16xi32>,
        %get3A_273 = vector.shape_cast %get3A_272 : vector<16xi32> to vector<16xi32>
        %ge3A_274 = arith.cmpi sge, %get3A_273, %xor3A_185 : vector<16xi32>
        %sub3A_275 = arith.subf %get3A_264, %add3A_172 : vector<16xf32>
        %jit3A_276 = arith.constant -1.000000e+09 : f32
        %broadcast_in_dim3A_277 = vector.broadcast %jit3A_276 : f32 to vector<16xf32>
        %select_n3A_278 = arith.select %ge3A_274, %sub3A_275, %broadcast_in_dim3A_277 : vector<16xi1>, vector<16xf32>
        %mul3A_279 = arith.constant 8 : i32
        %mul3A_280 = arith.muli %scan3A_192, %mul3A_279 : i32
        %add3A_281 = arith.constant 2 : i32
        %add3A_282 = arith.addi %mul3A_280, %add3A_281 : i32
        %mul3A_283 = arith.constant 16 : i32
        %mul3A_284 = arith.muli %add3A_282, %mul3A_283 : i32
        %swap3A_285 = arith.index_cast %mul3A_284 : i32 to index
        %swap3A_286 = tpu.vector_load %arg7[%swap3A_285] {strides = array<i32>} : memref<2048xf32, #tpu.memory_space<vmem>>, vector<16xf32>,
        %swap3A_287 = vector.shape_cast %swap3A_286 : vector<16xf32> to vector<16xf32>
        %swap3A_288 = vector.shape_cast %select_n3A_278 : vector<16xf32> to vector<16xf32>
        tpu.vector_store %arg7[%swap3A_285], %swap3A_288 {strides = array<i32>} : memref<2048xf32, #tpu.memory_space<vmem>>, vector<16xf32>,
        %mul3A_289 = arith.constant 8 : i32
        %mul3A_290 = arith.muli %scan3A_192, %mul3A_289 : i32
        %add3A_291 = arith.constant 3 : i32
        %add3A_292 = arith.addi %mul3A_290, %add3A_291 : i32
        %mul3A_293 = arith.constant 16 : i32
        %mul3A_294 = arith.muli %add3A_292, %mul3A_293 : i32
        %get3A_295 = arith.index_cast %mul3A_294 : i32 to index
        %get3A_296 = tpu.vector_load %arg5[%get3A_295] {strides = array<i32>} : memref<2048xf32, #tpu.memory_space<vmem>>, vector<16xf32>,
        %get3A_297 = vector.shape_cast %get3A_296 : vector<16xf32> to vector<16xf32>
        %mul3A_298 = arith.constant 8 : i32
        %mul3A_299 = arith.muli %scan3A_192, %mul3A_298 : i32
        %add3A_300 = arith.constant 3 : i32
        %add3A_301 = arith.addi %mul3A_299, %add3A_300 : i32
        %mul3A_302 = arith.constant 16 : i32
        %mul3A_303 = arith.muli %add3A_301, %mul3A_302 : i32
        %get3A_304 = arith.index_cast %mul3A_303 : i32 to index
        %get3A_305 = tpu.vector_load %arg6[%get3A_304] {strides = array<i32>} : memref<2048xi32, #tpu.memory_space<vmem>>, vector<16xi32>,
        %get3A_306 = vector.shape_cast %get3A_305 : vector<16xi32> to vector<16xi32>
        %ge3A_307 = arith.cmpi sge, %get3A_306, %xor3A_185 : vector<16xi32>
        %sub3A_308 = arith.subf %get3A_297, %add3A_172 : vector<16xf32>
        %jit3A_309 = arith.constant -1.000000e+09 : f32
        %broadcast_in_dim3A_310 = vector.broadcast %jit3A_309 : f32 to vector<16xf32>
        %select_n3A_311 = arith.select %ge3A_307, %sub3A_308, %broadcast_in_dim3A_310 : vector<16xi1>, vector<16xf32>
        %mul3A_312 = arith.constant 8 : i32
        %mul3A_313 = arith.muli %scan3A_192, %mul3A_312 : i32
        %add3A_314 = arith.constant 3 : i32
        %add3A_315 = arith.addi %mul3A_313, %add3A_314 : i32
        %mul3A_316 = arith.constant 16 : i32
        %mul3A_317 = arith.muli %add3A_315, %mul3A_316 : i32
        %swap3A_318 = arith.index_cast %mul3A_317 : i32 to index
        %swap3A_319 = tpu.vector_load %arg7[%swap3A_318] {strides = array<i32>} : memref<2048xf32, #tpu.memory_space<vmem>>, vector<16xf32>,
        %swap3A_320 = vector.shape_cast %swap3A_319 : vector<16xf32> to vector<16xf32>
        %swap3A_321 = vector.shape_cast %select_n3A_311 : vector<16xf32> to vector<16xf32>
        tpu.vector_store %arg7[%swap3A_318], %swap3A_321 {strides = array<i32>} : memref<2048xf32, #tpu.memory_space<vmem>>, vector<16xf32>,
        %mul3A_322 = arith.constant 8 : i32
        %mul3A_323 = arith.muli %scan3A_192, %mul3A_322 : i32
        %add3A_324 = arith.constant 4 : i32
        %add3A_325 = arith.addi %mul3A_323, %add3A_324 : i32
        %mul3A_326 = arith.constant 16 : i32
        %mul3A_327 = arith.muli %add3A_325, %mul3A_326 : i32
        %get3A_328 = arith.index_cast %mul3A_327 : i32 to index
        %get3A_329 = tpu.vector_load %arg5[%get3A_328] {strides = array<i32>} : memref<2048xf32, #tpu.memory_space<vmem>>, vector<16xf32>,
        %get3A_330 = vector.shape_cast %get3A_329 : vector<16xf32> to vector<16xf32>
        %mul3A_331 = arith.constant 8 : i32
        %mul3A_332 = arith.muli %scan3A_192, %mul3A_331 : i32
        %add3A_333 = arith.constant 4 : i32
        %add3A_334 = arith.addi %mul3A_332, %add3A_333 : i32
        %mul3A_335 = arith.constant 16 : i32
        %mul3A_336 = arith.muli %add3A_334, %mul3A_335 : i32
        %get3A_337 = arith.index_cast %mul3A_336 : i32 to index
        %get3A_338 = tpu.vector_load %arg6[%get3A_337] {strides = array<i32>} : memref<2048xi32, #tpu.memory_space<vmem>>, vector<16xi32>,
        %get3A_339 = vector.shape_cast %get3A_338 : vector<16xi32> to vector<16xi32>
        %ge3A_340 = arith.cmpi sge, %get3A_339, %xor3A_185 : vector<16xi32>
        %sub3A_341 = arith.subf %get3A_330, %add3A_172 : vector<16xf32>
        %jit3A_342 = arith.constant -1.000000e+09 : f32
        %broadcast_in_dim3A_343 = vector.broadcast %jit3A_342 : f32 to vector<16xf32>
        %select_n3A_344 = arith.select %ge3A_340, %sub3A_341, %broadcast_in_dim3A_343 : vector<16xi1>, vector<16xf32>
        %mul3A_345 = arith.constant 8 : i32
        %mul3A_346 = arith.muli %scan3A_192, %mul3A_345 : i32
        %add3A_347 = arith.constant 4 : i32
        %add3A_348 = arith.addi %mul3A_346, %add3A_347 : i32
        %mul3A_349 = arith.constant 16 : i32
        %mul3A_350 = arith.muli %add3A_348, %mul3A_349 : i32
        %swap3A_351 = arith.index_cast %mul3A_350 : i32 to index
        %swap3A_352 = tpu.vector_load %arg7[%swap3A_351] {strides = array<i32>} : memref<2048xf32, #tpu.memory_space<vmem>>, vector<16xf32>,
        %swap3A_353 = vector.shape_cast %swap3A_352 : vector<16xf32> to vector<16xf32>
        %swap3A_354 = vector.shape_cast %select_n3A_344 : vector<16xf32> to vector<16xf32>
        tpu.vector_store %arg7[%swap3A_351], %swap3A_354 {strides = array<i32>} : memref<2048xf32, #tpu.memory_space<vmem>>, vector<16xf32>,
        %mul3A_355 = arith.constant 8 : i32
        %mul3A_356 = arith.muli %scan3A_192, %mul3A_355 : i32
        %add3A_357 = arith.constant 5 : i32
        %add3A_358 = arith.addi %mul3A_356, %add3A_357 : i32
        %mul3A_359 = arith.constant 16 : i32
        %mul3A_360 = arith.muli %add3A_358, %mul3A_359 : i32
        %get3A_361 = arith.index_cast %mul3A_360 : i32 to index
        %get3A_362 = tpu.vector_load %arg5[%get3A_361] {strides = array<i32>} : memref<2048xf32, #tpu.memory_space<vmem>>, vector<16xf32>,
        %get3A_363 = vector.shape_cast %get3A_362 : vector<16xf32> to vector<16xf32>
        %mul3A_364 = arith.constant 8 : i32
        %mul3A_365 = arith.muli %scan3A_192, %mul3A_364 : i32
        %add3A_366 = arith.constant 5 : i32
        %add3A_367 = arith.addi %mul3A_365, %add3A_366 : i32
        %mul3A_368 = arith.constant 16 : i32
        %mul3A_369 = arith.muli %add3A_367, %mul3A_368 : i32
        %get3A_370 = arith.index_cast %mul3A_369 : i32 to index
        %get3A_371 = tpu.vector_load %arg6[%get3A_370] {strides = array<i32>} : memref<2048xi32, #tpu.memory_space<vmem>>, vector<16xi32>,
        %get3A_372 = vector.shape_cast %get3A_371 : vector<16xi32> to vector<16xi32>
        %ge3A_373 = arith.cmpi sge, %get3A_372, %xor3A_185 : vector<16xi32>
        %sub3A_374 = arith.subf %get3A_363, %add3A_172 : vector<16xf32>
        %jit3A_375 = arith.constant -1.000000e+09 : f32
        %broadcast_in_dim3A_376 = vector.broadcast %jit3A_375 : f32 to vector<16xf32>
        %select_n3A_377 = arith.select %ge3A_373, %sub3A_374, %broadcast_in_dim3A_376 : vector<16xi1>, vector<16xf32>
        %mul3A_378 = arith.constant 8 : i32
        %mul3A_379 = arith.muli %scan3A_192, %mul3A_378 : i32
        %add3A_380 = arith.constant 5 : i32
        %add3A_381 = arith.addi %mul3A_379, %add3A_380 : i32
        %mul3A_382 = arith.constant 16 : i32
        %mul3A_383 = arith.muli %add3A_381, %mul3A_382 : i32
        %swap3A_384 = arith.index_cast %mul3A_383 : i32 to index
        %swap3A_385 = tpu.vector_load %arg7[%swap3A_384] {strides = array<i32>} : memref<2048xf32, #tpu.memory_space<vmem>>, vector<16xf32>,
        %swap3A_386 = vector.shape_cast %swap3A_385 : vector<16xf32> to vector<16xf32>
        %swap3A_387 = vector.shape_cast %select_n3A_377 : vector<16xf32> to vector<16xf32>
        tpu.vector_store %arg7[%swap3A_384], %swap3A_387 {strides = array<i32>} : memref<2048xf32, #tpu.memory_space<vmem>>, vector<16xf32>,
        %mul3A_388 = arith.constant 8 : i32
        %mul3A_389 = arith.muli %scan3A_192, %mul3A_388 : i32
        %add3A_390 = arith.constant 6 : i32
        %add3A_391 = arith.addi %mul3A_389, %add3A_390 : i32
        %mul3A_392 = arith.constant 16 : i32
        %mul3A_393 = arith.muli %add3A_391, %mul3A_392 : i32
        %get3A_394 = arith.index_cast %mul3A_393 : i32 to index
        %get3A_395 = tpu.vector_load %arg5[%get3A_394] {strides = array<i32>} : memref<2048xf32, #tpu.memory_space<vmem>>, vector<16xf32>,
        %get3A_396 = vector.shape_cast %get3A_395 : vector<16xf32> to vector<16xf32>
        %mul3A_397 = arith.constant 8 : i32
        %mul3A_398 = arith.muli %scan3A_192, %mul3A_397 : i32
        %add3A_399 = arith.constant 6 : i32
        %add3A_400 = arith.addi %mul3A_398, %add3A_399 : i32
        %mul3A_401 = arith.constant 16 : i32
        %mul3A_402 = arith.muli %add3A_400, %mul3A_401 : i32
        %get3A_403 = arith.index_cast %mul3A_402 : i32 to index
        %get3A_404 = tpu.vector_load %arg6[%get3A_403] {strides = array<i32>} : memref<2048xi32, #tpu.memory_space<vmem>>, vector<16xi32>,
        %get3A_405 = vector.shape_cast %get3A_404 : vector<16xi32> to vector<16xi32>
        %ge3A_406 = arith.cmpi sge, %get3A_405, %xor3A_185 : vector<16xi32>
        %sub3A_407 = arith.subf %get3A_396, %add3A_172 : vector<16xf32>
        %jit3A_408 = arith.constant -1.000000e+09 : f32
        %broadcast_in_dim3A_409 = vector.broadcast %jit3A_408 : f32 to vector<16xf32>
        %select_n3A_410 = arith.select %ge3A_406, %sub3A_407, %broadcast_in_dim3A_409 : vector<16xi1>, vector<16xf32>
        %mul3A_411 = arith.constant 8 : i32
        %mul3A_412 = arith.muli %scan3A_192, %mul3A_411 : i32
        %add3A_413 = arith.constant 6 : i32
        %add3A_414 = arith.addi %mul3A_412, %add3A_413 : i32
        %mul3A_415 = arith.constant 16 : i32
        %mul3A_416 = arith.muli %add3A_414, %mul3A_415 : i32
        %swap3A_417 = arith.index_cast %mul3A_416 : i32 to index
        %swap3A_418 = tpu.vector_load %arg7[%swap3A_417] {strides = array<i32>} : memref<2048xf32, #tpu.memory_space<vmem>>, vector<16xf32>,
        %swap3A_419 = vector.shape_cast %swap3A_418 : vector<16xf32> to vector<16xf32>
        %swap3A_420 = vector.shape_cast %select_n3A_410 : vector<16xf32> to vector<16xf32>
        tpu.vector_store %arg7[%swap3A_417], %swap3A_420 {strides = array<i32>} : memref<2048xf32, #tpu.memory_space<vmem>>, vector<16xf32>,
        %mul3A_421 = arith.constant 8 : i32
        %mul3A_422 = arith.muli %scan3A_192, %mul3A_421 : i32
        %add3A_423 = arith.constant 7 : i32
        %add3A_424 = arith.addi %mul3A_422, %add3A_423 : i32
        %mul3A_425 = arith.constant 16 : i32
        %mul3A_426 = arith.muli %add3A_424, %mul3A_425 : i32
        %get3A_427 = arith.index_cast %mul3A_426 : i32 to index
        %get3A_428 = tpu.vector_load %arg5[%get3A_427] {strides = array<i32>} : memref<2048xf32, #tpu.memory_space<vmem>>, vector<16xf32>,
        %get3A_429 = vector.shape_cast %get3A_428 : vector<16xf32> to vector<16xf32>
        %mul3A_430 = arith.constant 8 : i32
        %mul3A_431 = arith.muli %scan3A_192, %mul3A_430 : i32
        %add3A_432 = arith.constant 7 : i32
        %add3A_433 = arith.addi %mul3A_431, %add3A_432 : i32
        %mul3A_434 = arith.constant 16 : i32
        %mul3A_435 = arith.muli %add3A_433, %mul3A_434 : i32
        %get3A_436 = arith.index_cast %mul3A_435 : i32 to index
        %get3A_437 = tpu.vector_load %arg6[%get3A_436] {strides = array<i32>} : memref<2048xi32, #tpu.memory_space<vmem>>, vector<16xi32>,
        %get3A_438 = vector.shape_cast %get3A_437 : vector<16xi32> to vector<16xi32>
        %ge3A_439 = arith.cmpi sge, %get3A_438, %xor3A_185 : vector<16xi32>
        %sub3A_440 = arith.subf %get3A_429, %add3A_172 : vector<16xf32>
        %jit3A_441 = arith.constant -1.000000e+09 : f32
        %broadcast_in_dim3A_442 = vector.broadcast %jit3A_441 : f32 to vector<16xf32>
        %select_n3A_443 = arith.select %ge3A_439, %sub3A_440, %broadcast_in_dim3A_442 : vector<16xi1>, vector<16xf32>
        %mul3A_444 = arith.constant 8 : i32
        %mul3A_445 = arith.muli %scan3A_192, %mul3A_444 : i32
        %add3A_446 = arith.constant 7 : i32
        %add3A_447 = arith.addi %mul3A_445, %add3A_446 : i32
        %mul3A_448 = arith.constant 16 : i32
        %mul3A_449 = arith.muli %add3A_447, %mul3A_448 : i32
        %swap3A_450 = arith.index_cast %mul3A_449 : i32 to index
        %swap3A_451 = tpu.vector_load %arg7[%swap3A_450] {strides = array<i32>} : memref<2048xf32, #tpu.memory_space<vmem>>, vector<16xf32>,
        %swap3A_452 = vector.shape_cast %swap3A_451 : vector<16xf32> to vector<16xf32>
        %swap3A_453 = vector.shape_cast %select_n3A_443 : vector<16xf32> to vector<16xf32>
        tpu.vector_store %arg7[%swap3A_450], %swap3A_453 {strides = array<i32>} : memref<2048xf32, #tpu.memory_space<vmem>>, vector<16xf32>,
      }
      %scan3A_191 = arith.constant 16 : i32
      "tpu.region"() ({
        %run_scoped3A = tpu.sem_alloc : memref<!tpu.dma_semaphore, #tpu.memory_space<semaphore_mem>>
        %dma_start3A = arith.constant 0 : i32
        %dma_start3A_192 = tpu.memref_slice %arg4[%add3A, %dma_start3A] : memref<16x2048xf32, #tpu.memory_space<hbm>> -> memref<1x2048xf32, #tpu.memory_space<hbm>>
        %dma_start3A_193 = tpu.memref_squeeze %dma_start3A_192 : memref<1x2048xf32, #tpu.memory_space<hbm>> -> memref<2048xf32, #tpu.memory_space<hbm>>
        %dma_start3A_194 = arith.constant 0 : i32
        %dma_start3A_195 = tpu.memref_slice %arg4[%add3A, %dma_start3A_194] : memref<16x2048xf32, #tpu.memory_space<hbm>> -> memref<1x2048xf32, #tpu.memory_space<hbm>>
        %dma_start3A_196 = tpu.memref_squeeze %dma_start3A_195 : memref<1x2048xf32, #tpu.memory_space<hbm>> -> memref<2048xf32, #tpu.memory_space<hbm>>
        tpu.enqueue_dma source(%arg7 : memref<2048xf32, #tpu.memory_space<vmem>>) target(%dma_start3A_196 : memref<2048xf32, #tpu.memory_space<hbm>>) target_semaphore(%run_scoped3A : memref<!tpu.dma_semaphore, #tpu.memory_space<semaphore_mem>>)
        %dma_wait3A = arith.constant 0 : i32
        %dma_wait3A_197 = tpu.memref_slice %arg4[%add3A, %dma_wait3A] : memref<16x2048xf32, #tpu.memory_space<hbm>> -> memref<1x2048xf32, #tpu.memory_space<hbm>>
        %dma_wait3A_198 = tpu.memref_squeeze %dma_wait3A_197 : memref<1x2048xf32, #tpu.memory_space<hbm>> -> memref<2048xf32, #tpu.memory_space<hbm>>
        %dma_wait3A_199 = arith.constant 0 : i32
        %dma_wait3A_200 = tpu.memref_slice %arg4[%add3A, %dma_wait3A_199] : memref<16x2048xf32, #tpu.memory_space<hbm>> -> memref<1x2048xf32, #tpu.memory_space<hbm>>
        %dma_wait3A_201 = tpu.memref_squeeze %dma_wait3A_200 : memref<1x2048xf32, #tpu.memory_space<hbm>> -> memref<2048xf32, #tpu.memory_space<hbm>>
        tpu.wait_dma2 semaphore(%run_scoped3A : memref<!tpu.dma_semaphore, #tpu.memory_space<semaphore_mem>>) src(%arg7 : memref<2048xf32, #tpu.memory_space<vmem>>) dst(%dma_wait3A_201 : memref<2048xf32, #tpu.memory_space<hbm>>)
        tpu.yield
      }) : () -> ()
    } else {
    }
    return
  }
}

module attributes {stable_mosaic.version = 14 : i64} {
  func.func @_score_body(%arg0: i32, %arg1: memref<1024x1536xf32, #tpu.memory_space<vmem>>, %arg2: memref<1536x640xbf16, #tpu.memory_space<vmem>>, %arg3: memref<1x512xf32, #tpu.memory_space<vmem>>, %arg4: memref<1x512xf32, #tpu.memory_space<vmem>>, %arg5: memref<1x512xf32, #tpu.memory_space<vmem>>, %arg6: memref<512x128xbf16, #tpu.memory_space<vmem>>, %arg7: memref<1x1xf32, #tpu.memory_space<vmem>>, %arg8: memref<1x1024xf32, #tpu.memory_space<vmem>>) attributes {dimension_semantics = [#tpu.dimension_semantics<arbitrary>], iteration_bounds = array<i64: 32>, scalar_prefetch = 0 : i64, scratch_operands = 0 : i64, tpu.core_type = #tpu.core_type<tc>, window_params = [{transform_indices = @transform_0, window_bounds = array<i64: 1024, 1536>}, {pipeline_mode = #tpu.pipeline_mode<synchronous>, transform_indices = @transform_1, window_bounds = array<i64: 1536, 640>}, {pipeline_mode = #tpu.pipeline_mode<synchronous>, transform_indices = @transform_2, window_bounds = array<i64: 1, 512>}, {pipeline_mode = #tpu.pipeline_mode<synchronous>, transform_indices = @transform_3, window_bounds = array<i64: 1, 512>}, {pipeline_mode = #tpu.pipeline_mode<synchronous>, transform_indices = @transform_4, window_bounds = array<i64: 1, 512>}, {pipeline_mode = #tpu.pipeline_mode<synchronous>, transform_indices = @transform_5, window_bounds = array<i64: 512, 128>}, {pipeline_mode = #tpu.pipeline_mode<synchronous>, transform_indices = @transform_6, window_bounds = array<i64: 1, 1>}, {transform_indices = @transform_7, window_bounds = array<i64: 1, 1024>}]} {
    %get3A = arith.constant 0 : index
    %get3A_0 = arith.constant 0 : index
    %get3A_1 = vector.load %arg1[%get3A, %get3A_0] : memref<1024x1536xf32, #tpu.memory_space<vmem>>, vector<1024x1536xf32>
    %convert_element_type3A = arith.truncf %get3A_1 : vector<1024x1536xf32> to vector<1024x1536xbf16>
    %get3A_2 = arith.constant 0 : index
    %get3A_3 = arith.constant 0 : index
    %get3A_4 = vector.load %arg2[%get3A_2, %get3A_3] : memref<1536x640xbf16, #tpu.memory_space<vmem>>, vector<1536x640xbf16>
    %dot_general3A = arith.constant dense<0.000000e+00> : vector<1024x640xf32>
    %dot_general3A_5 = tpu.matmul %convert_element_type3A, %get3A_4, %dot_general3A {dimension_numbers = #tpu.dot_dimension_numbers<[1], [0], [0], [1], [0, 0, 1, 1], [], []>, transpose_lhs_hint = false} : vector<1024x1536xbf16>, vector<1536x640xbf16>, vector<1024x640xf32> -> vector<1024x640xf32>
    %slice3A = vector.extract_strided_slice %dot_general3A_5 {offsets = [0, 0], sizes = [1024, 512], strides = [1, 1]} : vector<1024x640xf32> to vector<1024x512xf32>
    %get3A_6 = arith.constant 0 : index
    %get3A_7 = arith.constant 0 : index
    %get3A_8 = vector.load %arg3[%get3A_6, %get3A_7] : memref<1x512xf32, #tpu.memory_space<vmem>>, vector<1x512xf32>
    %add3A = vector.broadcast %get3A_8 : vector<1x512xf32> to vector<1024x512xf32>
    %add3A_9 = arith.addf %slice3A, %add3A : vector<1024x512xf32>
    %slice3A_10 = vector.extract_strided_slice %dot_general3A_5 {offsets = [0, 512], sizes = [1024, 1], strides = [1, 1]} : vector<1024x640xf32> to vector<1024x1xf32>
    %squeeze3A = vector.shape_cast %slice3A_10 : vector<1024x1xf32> to vector<1024xf32>
    %reduce_sum3A = arith.constant dense<0.000000e+00> : vector<1024xf32>
    %reduce_sum3A_11 = vector.multi_reduction <add>, %add3A_9, %reduce_sum3A [1] : vector<1024x512xf32> to vector<1024xf32>
    %broadcast_in_dim3A = vector.shape_cast %reduce_sum3A_11 : vector<1024xf32> to vector<1024x1xf32>
    %div3A = arith.constant 5.120000e+02 : f32
    %div3A_12 = vector.broadcast %div3A : f32 to vector<1024x1xf32>
    %div3A_13 = arith.divf %broadcast_in_dim3A, %div3A_12 : vector<1024x1xf32>
    %sub3A = vector.broadcast %div3A_13 : vector<1024x1xf32> to vector<1024x512xf32>
    %sub3A_14 = arith.subf %add3A_9, %sub3A : vector<1024x512xf32>
    %mul3A = arith.mulf %sub3A_14, %sub3A_14 : vector<1024x512xf32>
    %reduce_sum3A_15 = arith.constant dense<0.000000e+00> : vector<1024xf32>
    %reduce_sum3A_16 = vector.multi_reduction <add>, %mul3A, %reduce_sum3A_15 [1] : vector<1024x512xf32> to vector<1024xf32>
    %broadcast_in_dim3A_17 = vector.shape_cast %reduce_sum3A_16 : vector<1024xf32> to vector<1024x1xf32>
    %div3A_18 = arith.constant 5.120000e+02 : f32
    %div3A_19 = vector.broadcast %div3A_18 : f32 to vector<1024x1xf32>
    %div3A_20 = arith.divf %broadcast_in_dim3A_17, %div3A_19 : vector<1024x1xf32>
    %add3A_21 = arith.constant 9.99999974E-6 : f32
    %add3A_22 = vector.broadcast %add3A_21 : f32 to vector<1024x1xf32>
    %add3A_23 = arith.addf %div3A_20, %add3A_22 : vector<1024x1xf32>
    %sqrt3A = math.sqrt %add3A_23 : vector<1024x1xf32>
    %div3A_24 = vector.broadcast %sqrt3A : vector<1024x1xf32> to vector<1024x512xf32>
    %div3A_25 = arith.divf %sub3A_14, %div3A_24 : vector<1024x512xf32>
    %get3A_26 = arith.constant 0 : index
    %get3A_27 = arith.constant 0 : index
    %get3A_28 = vector.load %arg4[%get3A_26, %get3A_27] : memref<1x512xf32, #tpu.memory_space<vmem>>, vector<1x512xf32>
    %mul3A_29 = vector.broadcast %get3A_28 : vector<1x512xf32> to vector<1024x512xf32>
    %mul3A_30 = arith.mulf %div3A_25, %mul3A_29 : vector<1024x512xf32>
    %get3A_31 = arith.constant 0 : index
    %get3A_32 = arith.constant 0 : index
    %get3A_33 = vector.load %arg5[%get3A_31, %get3A_32] : memref<1x512xf32, #tpu.memory_space<vmem>>, vector<1x512xf32>
    %add3A_34 = vector.broadcast %get3A_33 : vector<1x512xf32> to vector<1024x512xf32>
    %add3A_35 = arith.addf %mul3A_30, %add3A_34 : vector<1024x512xf32>
    %max3A = arith.constant 0.000000e+00 : f32
    %max3A_36 = vector.broadcast %max3A : f32 to vector<1024x512xf32>
    %max3A_37 = arith.maximumf %add3A_35, %max3A_36 : vector<1024x512xf32>
    %convert_element_type3A_38 = arith.truncf %max3A_37 : vector<1024x512xf32> to vector<1024x512xbf16>
    %get3A_39 = arith.constant 0 : index
    %get3A_40 = arith.constant 0 : index
    %get3A_41 = vector.load %arg6[%get3A_39, %get3A_40] : memref<512x128xbf16, #tpu.memory_space<vmem>>, vector<512x128xbf16>
    %dot_general3A_42 = arith.constant dense<0.000000e+00> : vector<1024x128xf32>
    %dot_general3A_43 = tpu.matmul %convert_element_type3A_38, %get3A_41, %dot_general3A_42 {dimension_numbers = #tpu.dot_dimension_numbers<[1], [0], [0], [1], [0, 0, 1, 1], [], []>, transpose_lhs_hint = false} : vector<1024x512xbf16>, vector<512x128xbf16>, vector<1024x128xf32> -> vector<1024x128xf32>
    %slice3A_44 = vector.extract_strided_slice %dot_general3A_43 {offsets = [0, 0], sizes = [1024, 1], strides = [1, 1]} : vector<1024x128xf32> to vector<1024x1xf32>
    %squeeze3A_45 = vector.shape_cast %slice3A_44 : vector<1024x1xf32> to vector<1024xf32>
    %add3A_46 = arith.addf %squeeze3A, %squeeze3A_45 : vector<1024xf32>
    %get3A_47 = arith.constant 0 : index
    %get3A_48 = arith.constant 0 : index
    %get3A_49 = vector.load %arg7[%get3A_47, %get3A_48] : memref<1x1xf32, #tpu.memory_space<vmem>>, vector<1x1xf32>
    %get3A_50 = vector.extract %get3A_49[0, 0] : f32 from vector<1x1xf32>
    %add3A_51 = vector.broadcast %get3A_50 : f32 to vector<1024xf32>
    %add3A_52 = arith.addf %add3A_46, %add3A_51 : vector<1024xf32>
    %swap3A = arith.constant 0 : index
    %swap3A_53 = arith.constant 0 : index
    %swap3A_54 = vector.load %arg8[%swap3A, %swap3A_53] : memref<1x1024xf32, #tpu.memory_space<vmem>>, vector<1x1024xf32>
    %swap3A_55 = vector.shape_cast %swap3A_54 : vector<1x1024xf32> to vector<1024xf32>
    %swap3A_56 = vector.shape_cast %add3A_52 : vector<1024xf32> to vector<1x1024xf32>
    tpu.vector_store %arg8[%swap3A, %swap3A_53], %swap3A_56 {strides = array<i32>} : memref<1x1024xf32, #tpu.memory_space<vmem>>, vector<1x1024xf32>,
    return
  }
  func.func @transform_0(%arg0: i32) -> (i32, i32) {
    %c0_i32 = arith.constant 0 : i32
    %c0_i32_0 = arith.constant 0 : i32
    return %arg0, %c0_i32 : i32, i32
  }
  func.func @transform_1(%arg0: i32) -> (i32, i32) {
    %c0_i32 = arith.constant 0 : i32
    %c0_i32_0 = arith.constant 0 : i32
    %c0_i32_1 = arith.constant 0 : i32
    return %c0_i32, %c0_i32_0 : i32, i32
  }
  func.func @transform_2(%arg0: i32) -> (i32, i32) {
    %c0_i32 = arith.constant 0 : i32
    %c0_i32_0 = arith.constant 0 : i32
    %c0_i32_1 = arith.constant 0 : i32
    return %c0_i32, %c0_i32_0 : i32, i32
  }
  func.func @transform_3(%arg0: i32) -> (i32, i32) {
    %c0_i32 = arith.constant 0 : i32
    %c0_i32_0 = arith.constant 0 : i32
    %c0_i32_1 = arith.constant 0 : i32
    return %c0_i32, %c0_i32_0 : i32, i32
  }
  func.func @transform_4(%arg0: i32) -> (i32, i32) {
    %c0_i32 = arith.constant 0 : i32
    %c0_i32_0 = arith.constant 0 : i32
    %c0_i32_1 = arith.constant 0 : i32
    return %c0_i32, %c0_i32_0 : i32, i32
  }
  func.func @transform_5(%arg0: i32) -> (i32, i32) {
    %c0_i32 = arith.constant 0 : i32
    %c0_i32_0 = arith.constant 0 : i32
    %c0_i32_1 = arith.constant 0 : i32
    return %c0_i32, %c0_i32_0 : i32, i32
  }
  func.func @transform_6(%arg0: i32) -> (i32, i32) {
    %c0_i32 = arith.constant 0 : i32
    %c0_i32_0 = arith.constant 0 : i32
    %c0_i32_1 = arith.constant 0 : i32
    return %c0_i32, %c0_i32_0 : i32, i32
  }
  func.func @transform_7(%arg0: i32) -> (i32, i32) {
    %c0_i32 = arith.constant 0 : i32
    %c0_i32_0 = arith.constant 0 : i32
    return %c0_i32, %arg0 : i32, i32
  }
}

</mosaic_0001>

<sc_bundles>
// kernel: kernel.4.cloned.1.call-start
scs
__scs_entry_jumppad:
0x0: {  	(pc) =	sbr.rel $0x88, $3  }
0x1: {  	(tag) =	ssettag $0x0;
	lr =	simm.s32 $0x1  }
0x2: {  	[smem:$0x3F99] =	sst lr;
	_ =	strace $0xD0000000  }
0x3: {  	_ = 	snop  }
0x4: {  	_ = 	snop  }
0x5: {  	_ = 	snop  }
0x6: {  	_ = 	snop  }
0x7: {  	_ = 	snop  }
__scs_overlays_trampoline_lowered:
0x8: {  	[smem:$0x3FA8] =	sst s0  }
0x9: {  	[smem:$0x3FA9] =	sst s1  }
0xa: {  	[smem:$0x3FAA] =	sst s2  }
0xb: {  	[smem:$0x3FAB] =	sst s3  }
0xc: {  	[smem:$0x3FAC] =	sst s4  }
0xd: {  	[smem:$0x3FAD] =	sst s5  }
0xe: {  	[smem:$0x3FAE] =	sst s6  }
0xf: {  	[smem:$0x3FAF] =	sst s7  }
0x10: {  	[smem:$0x3FB0] =	sst s8  }
0x11: {  	[smem:$0x3FB1] =	sst s9;
	s0 =	simm.s32 @!p0 $0x0  }
0x12: {  	s1 =	sld [smem:$0x3F97];
	s0 =	simm.s32 @p0 $0x1  }
0x13: {  	[smem:$0x3FB2] =	sst s0;
	s0 =	simm.s32 @!p1 $0x0  }
0x14: {  	s2 =	sld [smem:$0x3F96];
	s0 =	simm.s32 @p1 $0x1  }
0x15: {  	[smem:$0x3FB3] =	sst s0;
	s0 =	simm.s32 @!p2 $0x0  }
0x16: {  	s3 =	sld [smem:$0x3FDB];
	s0 =	simm.s32 @p2 $0x1  }
0x17: {  	s4 =	simm.s32 $0x1BF5;
	[smem:$0x3FB5] =	sst s0  }
0x18: {  	s0 =	sld [smem:$0x3F98];
	_ =	swait.ge [sflag:s4], $0x0  }
0x19: {  	s7 =	sld [smem:$0x3F99]  }
0x1a: {  	s8 =	sadd.s32 $0xFFFFE003, lr  }
0x1b: {  	s9 =	sadd.s32 $0xFFFFFEF7, lr;
	s5 =	simm.s32 $0xFFFFFFFF;
	p2 =	slt.u32 s8, $0xFFFFF086  }
0x1c: {  	p1 =	slt.u32 s9, $0xF7A;
	s5 =	simm.s32 @!p2 $0x0  }
0x1d: {  	s5 =	simm.s32 @p1 $0x1;
	p0 =	seq.s32 s7, s2  }
0x1e: {  	s7 =	smul.u32 @!p0 $0xF7A, s2;
	p2 =	seq.s32 @!p0 s5, $0x0  }
0x1f: {  	s9 =	smul.u32 $0xF7A, s1;
	s8 =	simm.s32 @!p0 $0x1BF5;
	p2 =	por !p2, p0  }
0x20: {  	[sflag:s8] =	ssyncset.s32 @!p0 $0xFFFFF086;
	s6 =	sadd.s32 @!p0 s3, s7;
	s7 =	simm.s32 @!p0 $0x108  }
0x21: {  	s3 =	sadd.s32 s3, s9;
	s6 =	sadd.s32 @!p0 $0x88, s6;
	s7 =	simm.s32 @p2 $0x1082  }
0x22: {  	[simem:s7], [sflag:s8] =	dma.local @!p0 [hbm:s6], $0xF7A  }
0x23: {  	s9 =	sor.u32 $0xD0000000, s2;
	s6 =	simm.s32 $0x108;
	_ =	swait.ge @!p0 [sflag:s8], $0x0  }
0x24: {  	s3 =	sadd.s32 $0x88, s3;
	s6 =	simm.s32 @!p1 $0x1082;
	[sflag:s4] =	ssyncset.s32 $0xFFFFF086  }
0x25: {  	[simem:s6], [sflag:s4] =	dma.local [hbm:s3], $0xF7A  }
0x26: {  	[smem:$0x3F99] =	sst s1;
	(tag) =	ssettag s2;
	_ =	strace s9  }
0x27: {  	s1 =	sld [smem:$0x3FA9]  }
0x28: {  	s2 =	sld [smem:$0x3FAA]  }
0x29: {  	s4 =	sld [smem:$0x3FAC]  }
0x2a: {  	p0 =	seq.s32 s5, $0x0;
	s5 =	sld [smem:$0x3FAD]  }
0x2b: {  	s6 =	sld [smem:$0x3FAE]  }
0x2c: {  	s7 =	sld [smem:$0x3FAF]  }
0x2d: {  	s3 =	simm.s32 $0x108;
	s8 =	sld [smem:$0x3FB0]  }
0x2e: {  	s3 =	simm.s32 @!p0 $0x1082;
	s9 =	sld [smem:$0x3FB1]  }
0x2f: {  	lr =	sadd.s32 s0, s3;
	s0 =	sld [smem:$0x3FA8]  }
0x30: {  	s3 =	sld [smem:$0x3FAB]  }
0x31: {  	[smem:$0x3FB4] =	sst s10  }
0x32: {  	s10 =	sld [smem:$0x3FB2];
	_ =	sdelay $0x3  }
0x33: {  	p0 =	seq.s32 s10, $0x1;
	s10 =	sld [smem:$0x3FB4];
	_ =	sdelay $0x3  }
0x34: {  	[smem:$0x3FB4] =	sst s10  }
0x35: {  	s10 =	sld [smem:$0x3FB3];
	_ =	sdelay $0x3  }
0x36: {  	p1 =	seq.s32 s10, $0x1;
	s10 =	sld [smem:$0x3FB4];
	_ =	sdelay $0x3  }
0x37: {  	[smem:$0x3FB4] =	sst s10  }
0x38: {  	s10 =	sld [smem:$0x3FB5]  }
0x39: {  	_ = 	snop;
	(pc) =	sbr.ind lr, $3  }
0x3a: {  	_ = 	snop  }
0x3b: {  	_ = 	snop  }
0x3c: {  	p2 =	seq.s32 s10, $0x1;
	s10 =	sld [smem:$0x3FB4]  }
0x3d: {  	_ =	shalt  }
0x3e: {  	_ =	shalt  }
0x3f: {  	_ =	shalt  }
0x40: {  	_ =	shalt  }
0x41: {  	_ =	shalt  }
0x42: {  	_ =	shalt  }
0x43: {  	_ =	shalt  }
0x44: {  	_ =	shalt  }
0x45: {  	_ =	shalt  }
0x46: {  	_ =	shalt  }
0x47: {  	_ =	shalt  }
0x48: {  	_ =	shalt  }
0x49: {  	_ =	shalt  }
0x4a: {  	_ =	shalt  }
0x4b: {  	_ =	shalt  }
0x4c: {  	_ =	shalt  }
0x4d: {  	_ =	shalt  }
0x4e: {  	_ =	shalt  }
0x4f: {  	_ =	shalt  }
0x50: {  	_ =	shalt  }
0x51: {  	_ =	shalt  }
0x52: {  	_ =	shalt  }
0x53: {  	_ =	shalt  }
0x54: {  	_ =	shalt  }
0x55: {  	_ =	shalt  }
0x56: {  	_ =	shalt  }
0x57: {  	_ =	shalt  }
0x58: {  	_ =	shalt  }
0x59: {  	_ =	shalt  }
0x5a: {  	_ =	shalt  }
0x5b: {  	_ =	shalt  }
0x5c: {  	_ =	shalt  }
0x5d: {  	_ =	shalt  }
0x5e: {  	_ =	shalt  }
0x5f: {  	_ =	shalt  }
0x60: {  	_ =	shalt  }
0x61: {  	_ =	shalt  }
0x62: {  	_ =	shalt  }
0x63: {  	_ =	shalt  }
0x64: {  	_ =	shalt  }
0x65: {  	_ =	shalt  }
0x66: {  	_ =	shalt  }
0x67: {  	_ =	shalt  }
0x68: {  	_ =	shalt  }
0x69: {  	_ =	shalt  }
0x6a: {  	_ =	shalt  }
0x6b: {  	_ =	shalt  }
0x6c: {  	_ =	shalt  }
0x6d: {  	_ =	shalt  }
0x6e: {  	_ =	shalt  }
0x6f: {  	_ =	shalt  }
0x70: {  	_ =	shalt  }
0x71: {  	_ =	shalt  }
0x72: {  	_ =	shalt  }
0x73: {  	_ =	shalt  }
0x74: {  	_ =	shalt  }
0x75: {  	_ =	shalt  }
0x76: {  	_ =	shalt  }
0x77: {  	_ =	shalt  }
0x78: {  	_ =	shalt  }
0x79: {  	_ =	shalt  }
0x7a: {  	_ =	shalt  }
0x7b: {  	_ =	shalt  }
0x7c: {  	_ =	shalt  }
0x7d: {  	_ =	shalt  }
0x7e: {  	_ =	shalt  }
0x7f: {  	_ =	shalt  }
0x80: {  	_ =	shalt  }
0x81: {  	_ =	shalt  }
0x82: {  	_ =	shalt  }
0x83: {  	_ =	shalt  }
0x84: {  	_ =	shalt  }
0x85: {  	_ =	shalt  }
0x86: {  	_ =	shalt  }
0x87: {  	_ =	shalt  }
.Lfunc_end0:
.L_simem_size_0:
called_computation_lowered:
.L_overlay_start_0:
0x88: {  	s2 =	sld [smem:$0x3FD9]  }
0x89: {  	s3 =	sld [smem:$0x3FFE];
	_ =	sdelay $0x1  }
0x8a: {  	s1 =	srdreg.scid  }
0x8b: {  	s0 =	sand.u32 $0x1, s1  }
0x8c: {  	s17 =	sshll.u32 s0, $0xA;
	s2 =	sadd.s32 s3, s2  }
0x8d: {  	s2 =	sadd.s32 s2, s17  }
0x8e: {  	[smem:$0x3FC0] =	sst s2  }
0x8f: {  	_ = 	snop  }
0x90: {  	s2 =	sld [smem:$0x3FD0];
	(tm) =	ssettm $0x1  }
0x91: {  	s18 =	sld [smem:$0x3FFB];
	_ =	sdelay $0x3  }
0x92: {  	_ =	strace s18  }
0x93: {  	s3 =	sld [smem:$0x3FFC];
	_ =	sdelay $0x3  }
0x94: {  	_ =	strace s3  }
0x95: {  	s3 =	sld [smem:$0x3FFD];
	_ =	sdelay $0x3  }
0x96: {  	_ =	strace s3  }
0x97: {  	_ =	strace $0x8FFFFFFF  }
0x98: {  	s19 =	sld [smem:$0x3FDB];
	_ =	sdelay $0x1  }
0x99: {  	s4 =	simm.s32 $_scs_section_size  }
0x9a: {  	s5 =	simm.s32 $_size__tile_overlayer_lowered;
	s6 =	simm.s32 $_tile_overlayer_lowered  }
0x9b: {  	s22 =	simm.s32 $0x1BFF;
	s21 =	sshll.u32 s6, $0x1;
	s3 =	sadd.s32 s4, s19  }
0x9c: {  	s7 =	simm.s32 $0x0;
	s20 =	sshll.u32 s5, $0x1;
	s5 =	sadd.s32 s21, s3  }
0x9d: {  	[timem:s7], [sflag:s22] =	dma.local [hbm:s5], s20  }
0x9e: {  	_ =	swait.ge [sflag:s22], s20  }
0x9f: {  	s4 =	ssub.s32 $0x0, s20;
	[sflag:s22] =	ssyncset.done $0x0  }
0xa0: {  	[sflag:s22] =	ssyncadd.s32 s4;
	_ =	sdelay $0x1  }
0xa1: {  	s23 =	simm.s32 $0x1B8B  }
0xa2: {  	_ =	swait.ge [sflag:s23], $0x1  }
0xa3: {  	[sflag:s23] =	ssyncset.done $0x0  }
0xa4: {  	s25 =	simm.s32 $0x1B8E;
	s24 =	sld [smem:$0x3FFE];
	[sflag:s23] =	ssyncadd.s32 $0xFFFFFFFF  }
0xa5: {  	s26 =	simm.s32 $execute0_lowered;
	[smem:$0x3FD2] =	sst s25  }
0xa6: {  	s5 =	sshll.u32 s26, $0x1;
	_ =	strace $0x80000046;
	[dreg:$0x1] =	wrdreg $0xFFFFFFFF  }
0xa7: {  	s28 =	simm.s32 $_size_execute0_lowered;
	s3 =	sadd.s32 s3, s5;
	[dreg:$0x0] =	wrdreg $0x0  }
0xa8: {  	s5 =	sshll.u32 s28, $0x1;
	[dreg:$0x2] =	wrdreg s3  }
0xa9: {  	[dreg:$0x3] =	wrdreg s5  }
0xaa: {  	[dreg:$0x4] =	wrdreg $0xC0  }
0xab: {  	_ =	task [dreg:s7], $0x5FFFF  }
0xac: {  	[dreg:$0x1] =	wrdreg $0xFFFFFFFF  }
0xad: {  	[dreg:$0x0] =	wrdreg $0x60  }
0xae: {  	[dreg:$0x2] =	wrdreg s24  }
0xaf: {  	[dreg:$0x3] =	wrdreg s2  }
0xb0: {  	[dreg:$0x4] =	wrdreg $0x9  }
0xb1: {  	_ =	task.clear_ibuf [dreg:s7], $0x5FFFF;
	_ =	strace $0x90000046  }
0xb2: {  	s29 =	simm.s32 $0x9;
	_ =	strace $0x80000048  }
0xb3: {  	_ =	swait.ge [sflag:s29], $0x1  }
0xb4: {  	[sflag:s29] =	ssyncadd.s32 $0xFFFFFFFF  }
0xb5: {  	_ =	strace $0x90000048  }
0xb6: {  	_ =	sfence  }
0xb7: {  	s30 =	sld [smem:$0x0];
	_ =	sdelay $0x2  }
0xb8: {  	s31 =	sshll.u32 s1, $0xD;
	s1 =	sshrl.u32 s1, $0x2  }
0xb9: {  	s3 =	sand.u32 $0x4000, s31;
	s1 =	sadd.s32 s1, s30  }
0xba: {  	s0 =	sor.u32 s3, s0;
	s1 =	sshll.u32 s1, $0x11  }
0xbb: {  	s0 =	sor.u32 s1, s0  }
0xbc: {  	s0 =	sadd.s32 $0x8F2B, s0  }
0xbd: {  	[sflag:s0] =	ssyncadd.remote.s32 $0x1  }
0xbe: {  	_ =	sfence.sel $0xFFFF  }
0xbf: {  	[dreg:$0x0] =	wrdreg $0xFFFFFFFF;
	(pc) =	sbr.abs _section_cstart, $3  }
0xc0: {  	[dreg:$0x1] =	wrdreg $0xFFFFFFFF  }
0xc1: {  	_ =	task.clear_ibuf [dreg:s7], $0x2FFFF;
	_ =	strace $0x9FFFFFFF  }
0xc2: {  	(tm) =	ssettm $0x7FFFFFFF  }
0xc3: {  	_ =	shalt  }
tec
execute0_lowered:
.L_overlay_start_1:
0x0: {  	(tag) =	ssettag $0x1  }
0x1: {  	s1 =	stileid.u32  }
0x2: {  	p0 =	sgt.u32 s1, $0x7  }
.Ltmp0:
0x3: {  	_ = 	snop;
	(pc) =	sbr.rel @p0 .LBB2_13-.Ltmp0, $4  }
0x4: {  	s3 =	rddreg [dreg:$0x0]  }
0x5: {  	s4 =	rddreg [dreg:$0x1];
	s2 =	simm.s32 $0x0  }
0x6: {  	[smem:$0x7FF] =	sst s2  }
0x7: {  	s0 =	rddreg [dreg:$0x2];
	_ =	strace $0x80000047  }
0x8: {  	v0 =	vimm.s32 $0xEFCDAB89;
	v1 =	vimm.s32 $0x67452301;
	v2 =	vimm.s32 $0xDCFE98BA  }
0x9: {  	v3 =	vimm.s32 $0x54761032;
	v4 =	vimm.s32 $0xBA98FEDC;
	v5 =	vimm.s32 $0xFEDCBA98  }
0xa: {  	s5 =	srdreg.scid;
	s6 =	sadd.s32 $0x600, s3;
	v6 =	vimm.s32 $0x32107654;
	v7 =	vimm.s32 $0x76543210;
	v0 =	vunpack.c.l.s4.s8 v0  }
0xb: {  	s7 =	sshll.u32 s1, $0x5;
	s8 =	sshll.u32 s1, $0x9;
	s3 =	sadd.s32 $0x1600, s3;
	v1 =	vunpack.c.l.s4.s8 v1;
	v2 =	vunpack.c.l.s4.s8 v2;
	v3 =	vunpack.c.l.s4.s8 v3  }
0xc: {  	s10 =	simm.s32 $0x1800;
	s11 =	simm.s32 $0x1000;
	s5 =	sand.u32 $0x1, s5;
	v5 =	vunpack.c.l.s4.s8 v5;
	v4 =	vunpack.c.l.s4.s8 v4;
	v6 =	vunpack.c.l.s4.s8 v6  }
0xd: {  	s15 =	simm.s32 $0x0;
	s7 =	sand.u32 $0x60, s7;
	v7 =	vunpack.c.l.s4.s8 v7;
	s9 =	sshll.u32 s5, $0x4;
	v0 =	vunpack.c.0.s8.s32 v0;
	v1 =	vunpack.c.0.s8.s32 v1  }
0xe: {  	s8 =	sand.u32 $0x800, s8;
	s5 =	ssub.s32 $0x2, s5;
	s7 =	sor.u32 s9, s7;
	v2 =	vunpack.c.0.s8.s32 v2;
	v3 =	vunpack.c.0.s8.s32 v3;
	v5 =	vunpack.c.0.s8.s32 v5  }
0xf: {  	s31 =	sshrl.u32 s5, $0x1;
	v4 =	vunpack.c.0.s8.s32 v4;
	v6 =	vunpack.c.0.s8.s32 v6;
	v7 =	vunpack.c.0.s8.s32 v7;
	s9 =	simm.s32 $0x1;
	s7 =	sor.u32 s8, s7  }
0x10: {  	s8 =	ssub.s32 s5, s31;
	s4 =	sadd.s32 s4, s7;
	s5 =	sadd.s32 s6, s7;
	v0 =	vcombine.low v1, v0;
	v1 =	vcombine.low v3, v2;
	v3 =	vand.u32 $0xF, v5  }
0x11: {  	s6 =	smax.u32 s8, $0x1;
	s7 =	simm.s32 $0x80;
	s8 =	simm.s32 $0x400;
	v2 =	vcombine.low v6, v4;
	v4 =	vimm.s32 $0x0;
	v3 =	vcombine.low v3, v7  }
.LBB2_2:
0x12: {  	s12 =	simm.s32 $0x0  }
0x13: {  	[tilespmem:s12], [sflag:$0x1] =	stream.strided.gather [hbm4b:s5+s7], $0x800, s8, s7, $0x38;
	[tilespmem:$0x1880] =	vst v63  }
0x14: {  	_ =	swait.ge [sflag:s9], $0x800  }
0x15: {  	[sflag:s9] =	ssyncset.done $0x0  }
0x16: {  	[sflag:s9] =	ssyncadd.s32 $0xFFFFF800  }
0x17: {  	[tilespmem:s10], [sflag:$0x1] =	stream.linear.gather [hbm4b:s3+s12], $0x80, $0x38;
	[tilespmem:$0x1880] =	vst v63  }
0x18: {  	_ =	swait.ge [sflag:s9], $0x80  }
0x19: {  	[sflag:s9] =	ssyncset.done $0x0  }
0x1a: {  	s13 =	simm.s32 $0x0;
	[sflag:s9] =	ssyncadd.s32 $0xFFFFFF80  }
0x1b: {  	v12 =	vld [tilespmem:s13+$0x0]  }
0x1c: {  	v14 =	vld [tilespmem:s13+$0x10]  }
0x1d: {  	v8 =	vld [tilespmem:s13+$0x20]  }
0x1e: {  	v6 =	vld [tilespmem:s13+$0x30]  }
0x1f: {  	v5 =	vimm.f32 $-Inf;
	v7 =	vld [tilespmem:s13+$0x40]  }
0x20: {  	v5 =	vmax.f32 v5, v12  }
0x21: {  	v5 =	vmax.f32 v5, v14  }
0x22: {  	v9 =	vld [tilespmem:s13+$0x50];
	v10 =	vmax.f32 v5, v8  }
0x23: {  	v13 =	vsub.s32 $0x80000000, v12;
	vm0 =	vlt.s32 v12, $0x0;
	v11 =	vmax.f32 v10, v6;
	v10 =	vld [tilespmem:s13+$0x60]  }
0x24: {  	v15 =	vsub.s32 $0x80000000, v14;
	vm1 =	vlt.s32 v14, $0x0;
	v20 =	vmax.f32 v11, v7;
	v11 =	vld [tilespmem:s13+$0x70]  }
0x25: {  	v16 =	vsub.s32 $0x80000000, v8;
	vm2 =	vlt.s32 v8, $0x0;
	v17 =	vsub.s32 $0x80000000, v6  }
0x26: {  	vm3 =	vlt.s32 v6, $0x0;
	v18 =	vsub.s32 $0x80000000, v7;
	vm4 =	vlt.s32 v7, $0x0  }
0x27: {  	s14 =	simm.s32 $0x400;
	s12 =	simm.s32 $0x80;
	v19 =	vsub.s32 $0x80000000, v9;
	vm5 =	vlt.s32 v9, $0x0;
	v5 =	vld [tilespmem:$0x1800];
	v20 =	vmax.f32 v20, v9  }
.LBB2_3:
0x28: {  	p0 =	sne.s32 s14, $0x1E00;
	v21 =	vld [tilespmem:s12+$0x0];
	v22 =	vsub.s32 $0x80000000, v10;
	vm6 =	vlt.s32 v10, $0x0;
	v20 =	vmax.f32 v20, v10  }
0x29: {  	v23 =	vld [tilespmem:s12+$0x10];
	v24 =	vsub.s32 $0x80000000, v11;
	vm7 =	vlt.s32 v11, $0x0;
	v20 =	vmax.f32 v20, v11  }
0x2a: {  	v12 =	vsel vm0, v13, v12;
	v13 =	vsel vm1, v15, v14;
	v14 =	vsel vm2, v16, v8;
	v8 =	vld [tilespmem:s12+$0x20]  }
0x2b: {  	v16 =	vsel vm3, v17, v6;
	v17 =	vsel vm4, v18, v7;
	v18 =	vsel vm5, v19, v9;
	[tilespmem:s13+$0x800] =	vst v12;
	v6 =	vld [tilespmem:s12+$0x30]  }
0x2c: {  	v19 =	vsel vm6, v22, v10;
	v22 =	vsel vm7, v24, v11;
	v7 =	vld [tilespmem:s12+$0x40];
	[tilespmem:s13+$0x810] =	vst v13  }
0x2d: {  	v13 =	vsub.s32 $0x80000000, v21;
	vm0 =	vlt.s32 v21, $0x0;
	v10 =	vmax.f32 v20, v21;
	v9 =	vld [tilespmem:s12+$0x50];
	[tilespmem:s13+$0x820] =	vst v14;
	v12 =	vmovc v21  }
.Ltmp1:
0x2e: {  	v15 =	vsub.s32 $0x80000000, v23;
	vm1 =	vlt.s32 v23, $0x0;
	v11 =	vmax.f32 v10, v23;
	v10 =	vld [tilespmem:s12+$0x60];
	[tilespmem:s13+$0x830] =	vst v16;
	v14 =	vmovc v23;
	(pc) =	sbr.rel @p0 .LBB2_3-.Ltmp1, $4  }
0x2f: {  	v16 =	vsub.s32 $0x80000000, v8;
	vm2 =	vlt.s32 v8, $0x0;
	v20 =	vmax.f32 v11, v8;
	v11 =	vld [tilespmem:s12+$0x70];
	[tilespmem:s13+$0x840] =	vst v17  }
0x30: {  	v17 =	vsub.s32 $0x80000000, v6;
	vm3 =	vlt.s32 v6, $0x0;
	v20 =	vmax.f32 v20, v6;
	[tilespmem:s13+$0x850] =	vst v18  }
0x31: {  	v18 =	vsub.s32 $0x80000000, v7;
	vm4 =	vlt.s32 v7, $0x0;
	v20 =	vmax.f32 v20, v7;
	[tilespmem:s13+$0x860] =	vst v19  }
0x32: {  	v19 =	vsub.s32 $0x80000000, v9;
	vm5 =	vlt.s32 v9, $0x0;
	v20 =	vmax.f32 v20, v9;
	[tilespmem:s13+$0x870] =	vst v22;
	s13 =	smov.u32 s12;
	s12 =	sshra.s32 s14, $0x2;
	s14 =	sadd.s32 $0x200, s14  }
0x33: {  	v21 =	vld [tilespmem:s12+$0x0]  }
0x34: {  	v22 =	vld [tilespmem:s12+$0x10]  }
0x35: {  	v23 =	vld [tilespmem:s12+$0x20];
	v12 =	vsel vm0, v13, v12  }
0x36: {  	v13 =	vld [tilespmem:s12+$0x30];
	vm6 =	vlt.s32 v10, $0x0;
	[tilespmem:s13+$0x800] =	vst v12;
	v12 =	vsel vm1, v15, v14  }
0x37: {  	v8 =	vsel vm2, v16, v8;
	v6 =	vsel vm3, v17, v6;
	v14 =	vld [tilespmem:s12+$0x40];
	[tilespmem:s13+$0x810] =	vst v12;
	v12 =	vmax.f32 v20, v10  }
0x38: {  	v7 =	vsel vm4, v18, v7;
	v9 =	vsel vm5, v19, v9;
	v12 =	vmax.f32 v12, v11  }
0x39: {  	v15 =	vsub.s32 $0x80000000, v10;
	v61 =	vsub.s32 $0x80000000, v11;
	v60 =	vld [tilespmem:s12+$0x50];
	[tilespmem:s13+$0x820] =	vst v8;
	v8 =	vmax.f32 v12, v21  }
0x3a: {  	vm7 =	vlt.s32 v11, $0x0;
	v10 =	vsel vm6, v15, v10;
	v12 =	vld [tilespmem:s12+$0x60];
	[tilespmem:s13+$0x830] =	vst v6;
	v8 =	vmax.f32 v8, v22  }
0x3b: {  	v6 =	vsel vm7, v61, v11;
	v11 =	vsub.s32 $0x80000000, v21;
	v15 =	vld [tilespmem:s12+$0x70];
	v8 =	vmax.f32 v8, v23  }
0x3c: {  	vm8 =	vlt.s32 v21, $0x0;
	v62 =	vsub.s32 $0x80000000, v22;
	[tilespmem:s13+$0x840] =	vst v7;
	v7 =	vmax.f32 v8, v13  }
0x3d: {  	vm10 =	vlt.s32 v23, $0x0;
	vm11 =	vlt.s32 v13, $0x0;
	[tilespmem:s13+$0x850] =	vst v9;
	v7 =	vmax.f32 v7, v14  }
0x3e: {  	v9 =	vsub.s32 $0x80000000, v13;
	[tilespmem:s13+$0x860] =	vst v10;
	v10 =	vsub.s32 $0x80000000, v14;
	v7 =	vmax.f32 v7, v60  }
0x3f: {  	[tilespmem:s13+$0x870] =	vst v6;
	vm12 =	vlt.s32 v14, $0x0;
	v9 =	vsel vm11, v9, v13;
	v6 =	vmax.f32 v7, v12  }
0x40: {  	v8 =	vsub.s32 $0x80000000, v23;
	[tilespmem:s12+$0x830] =	vst v9;
	v7 =	vsel vm8, v11, v21;
	v6 =	vmax.f32 v6, v15  }
0x41: {  	v10 =	vsel vm12, v10, v14;
	[tilespmem:s12+$0x800] =	vst v7;
	v7 =	vsel vm10, v8, v23;
	v8 =	vperm.xlane v6, v0  }
0x42: {  	vm9 =	vlt.s32 v22, $0x0;
	vm13 =	vlt.s32 v60, $0x0;
	[tilespmem:s12+$0x840] =	vst v10;
	vm14 =	vlt.s32 v12, $0x0  }
0x43: {  	v11 =	vsel vm9, v62, v22;
	[tilespmem:s12+$0x820] =	vst v7;
	v7 =	vsub.s32 $0x80000000, v12;
	v6 =	vmax.f32 v6, v8  }
0x44: {  	[tilespmem:s12+$0x810] =	vst v11;
	v11 =	vsub.s32 $0x80000000, v60;
	v7 =	vsel vm14, v7, v12;
	v9 =	vperm.xlane v6, v1  }
0x45: {  	v10 =	vsub.s32 $0x80000000, v15;
	vm15 =	vlt.s32 v15, $0x0;
	v8 =	vsel vm13, v11, v60;
	[tilespmem:s12+$0x860] =	vst v7  }
0x46: {  	[tilespmem:s12+$0x850] =	vst v8;
	v8 =	vsel vm15, v10, v15;
	v6 =	vmax.f32 v6, v9  }
0x47: {  	s30 =	simm.s32 $0x0;
	[tilespmem:s12+$0x870] =	vst v8;
	v7 =	vperm.xlane v6, v2  }
0x48: {  	v8 =	vld [tilespmem:s30+$0x0]  }
0x49: {  	v6 =	vmax.f32 v6, v7  }
0x4a: {  	v9 =	vld [tilespmem:s30+$0x10];
	v7 =	vperm.xlane v6, v3;
	_ =	sdelay $0x1  }
0x4b: {  	v6 =	vmax.f32 v6, v7  }
0x4c: {  	v7 =	vld [tilespmem:s30+$0x20];
	v8 =	vsub.f32 v8, v6;
	_ =	sdelay $0x1  }
0x4d: {  	v10 =	vld [tilespmem:s30+$0x30];
	v9 =	vsub.f32 v9, v6;
	v8 =	vmul.f32 $1.442695020e+00, v8  }
0x4e: {  	v11 =	vld [tilespmem:s30+$0x40]  }
0x4f: {  	v9 =	vmul.f32 $1.442695020e+00, v9;
	(erf) = vpow2.f32 v8;
	v8 =	vld [tilespmem:s30+$0x50]  }
0x50: {  	v7 =	vsub.f32 v7, v6  }
0x51: {  	(erf) = vpow2.f32 v9  }
0x52: {  	v10 =	vsub.f32 v10, v6;
	v7 =	vmul.f32 $1.442695020e+00, v7  }
0x53: {  	v11 =	vsub.f32 v11, v6  }
0x54: {  	v10 =	vmul.f32 $1.442695020e+00, v10;
	v9 =	vld [tilespmem:s30+$0x60];
	(erf) = vpow2.f32 v7;
	v7 =	vsub.f32 v8, v6  }
0x55: {  	v8 =	vmul.f32 $1.442695020e+00, v11  }
0x56: {  	(erf) = vpow2.f32 v10;
	v10 =	vld [tilespmem:s30+$0x70];
	v7 =	vmul.f32 $1.442695020e+00, v7  }
0x57: {  	s31 =	simm.s32 $0x80  }
0x58: {  	v11 =	vld [tilespmem:s31+$0x0];
	(erf) = vpow2.f32 v8;
	v8 =	vimm.f32 $0.0e+00;
	v12 =	vpop (erf)  }
0x59: {  	v9 =	vsub.f32 v9, v6;
	v8 =	vadd.f32 v12, v8  }
0x5a: {  	v13 =	vld [tilespmem:s31+$0x10];
	(erf) = vpow2.f32 v7;
	v7 =	vpop (erf)  }
0x5b: {  	v9 =	vmul.f32 $1.442695020e+00, v9;
	v12 =	vld [tilespmem:s31+$0x20];
	v7 =	vadd.f32 v7, v8;
	v8 =	vsub.f32 v10, v6;
	_ =	sdelay $0x1  }
0x5c: {  	(erf) = vpow2.f32 v9;
	v11 =	vsub.f32 v11, v6;
	v10 =	vpop (erf);
	v8 =	vmul.f32 $1.442695020e+00, v8  }
0x5d: {  	v9 =	vld [tilespmem:s31+$0x30];
	v7 =	vadd.f32 v10, v7  }
0x5e: {  	v11 =	vmul.f32 $1.442695020e+00, v11;
	v10 =	vsub.f32 v13, v6;
	v13 =	vld [tilespmem:s31+$0x40];
	v14 =	vpop (erf);
	(erf) = vpow2.f32 v8  }
0x5f: {  	v7 =	vadd.f32 v14, v7;
	v8 =	vsub.f32 v12, v6  }
0x60: {  	v15 =	vld [tilespmem:s31+$0x50];
	v10 =	vmul.f32 $1.442695020e+00, v10;
	v12 =	vpop (erf);
	(erf) = vpow2.f32 v11  }
0x61: {  	v7 =	vadd.f32 v12, v7;
	v12 =	vmul.f32 $1.442695020e+00, v8  }
0x62: {  	v11 =	vsub.f32 v9, v6;
	v9 =	vld [tilespmem:s31+$0x60];
	(erf) = vpow2.f32 v10  }
0x63: {  	v13 =	vsub.f32 v13, v6;
	v8 =	vpop (erf)  }
0x64: {  	v14 =	vmul.f32 $1.442695020e+00, v11;
	(erf) = vpow2.f32 v12;
	v63 =	vadd.f32 v8, v7;
	v8 =	vld [tilespmem:s31+$0x70]  }
0x65: {  	s12 =	simm.s32 $0x100;
	v10 =	vsub.f32 v15, v6;
	v12 =	vpop (erf)  }
0x66: {  	s13 =	simm.s32 $0x600;
	v7 =	vld [tilespmem:s12+$0x0];
	v11 =	vmul.f32 $1.442695020e+00, v13;
	(erf) = vpow2.f32 v14;
	v12 =	vadd.f32 v12, v63  }
.LBB2_5:
0x67: {  	p0 =	sne.s32 s13, $0x1E00;
	v9 =	vsub.f32 v9, v6;
	v13 =	vpop (erf)  }
0x68: {  	v15 =	vmul.f32 $1.442695020e+00, v10;
	v14 =	vld [tilespmem:s12+$0x10];
	(erf) = vpow2.f32 v11;
	v11 =	vadd.f32 v13, v12  }
0x69: {  	v8 =	vsub.f32 v8, v6;
	v12 =	vpop (erf)  }
0x6a: {  	v9 =	vmul.f32 $1.442695020e+00, v9;
	v13 =	vld [tilespmem:s12+$0x20];
	v16 =	vadd.f32 v12, v11;
	(erf) = vpow2.f32 v15  }
0x6b: {  	v7 =	vsub.f32 v7, v6;
	v10 =	vpop (erf)  }
0x6c: {  	v8 =	vmul.f32 $1.442695020e+00, v8;
	v12 =	vld [tilespmem:s12+$0x30];
	v10 =	vadd.f32 v10, v16;
	(erf) = vpow2.f32 v9  }
0x6d: {  	v9 =	vsub.f32 v14, v6;
	v11 =	vpop (erf)  }
0x6e: {  	v7 =	vmul.f32 $1.442695020e+00, v7;
	v14 =	vld [tilespmem:s12+$0x40];
	v10 =	vadd.f32 v11, v10;
	(erf) = vpow2.f32 v8  }
0x6f: {  	v8 =	vsub.f32 v13, v6;
	v11 =	vpop (erf)  }
0x70: {  	v16 =	vmul.f32 $1.442695020e+00, v9;
	v15 =	vld [tilespmem:s12+$0x50];
	(erf) = vpow2.f32 v7;
	v7 =	vadd.f32 v11, v10  }
0x71: {  	v10 =	vsub.f32 v12, v6;
	v11 =	vpop (erf)  }
.Ltmp2:
0x72: {  	v12 =	vmul.f32 $1.442695020e+00, v8;
	v9 =	vld [tilespmem:s12+$0x60];
	(erf) = vpow2.f32 v16;
	v7 =	vadd.f32 v11, v7;
	(pc) =	sbr.rel @p0 .LBB2_5-.Ltmp2, $4  }
0x73: {  	v11 =	vsub.f32 v14, v6;
	v13 =	vpop (erf)  }
0x74: {  	v14 =	vmul.f32 $1.442695020e+00, v10;
	v8 =	vld [tilespmem:s12+$0x70];
	(erf) = vpow2.f32 v12;
	v12 =	vadd.f32 v13, v7  }
0x75: {  	s12 =	sshra.s32 s13, $0x2;
	v10 =	vsub.f32 v15, v6;
	v13 =	vpop (erf)  }
0x76: {  	s13 =	sadd.s32 $0x200, s13;
	v11 =	vmul.f32 $1.442695020e+00, v11;
	v7 =	vld [tilespmem:s12+$0x0];
	(erf) = vpow2.f32 v14;
	v12 =	vadd.f32 v13, v12  }
0x77: {  	v13 =	vpop (erf)  }
0x78: {  	v10 =	vmul.f32 $1.442695020e+00, v10;
	(erf) = vpow2.f32 v11;
	v11 =	vadd.f32 v13, v12  }
0x79: {  	v9 =	vsub.f32 v9, v6;
	v14 =	vld [tilespmem:s12+$0x10];
	v57 =	vpop (erf)  }
0x7a: {  	v11 =	vadd.f32 v57, v11  }
0x7b: {  	v8 =	vsub.f32 v8, v6;
	v9 =	vmul.f32 $1.442695020e+00, v9;
	(erf) = vpow2.f32 v10  }
0x7c: {  	v7 =	vsub.f32 v7, v6;
	v10 =	vpop (erf)  }
0x7d: {  	v58 =	vld [tilespmem:s12+$0x20];
	v8 =	vmul.f32 $1.442695020e+00, v8;
	(erf) = vpow2.f32 v9;
	v10 =	vadd.f32 v10, v11  }
0x7e: {  	v9 =	vsub.f32 v14, v6;
	v11 =	vpop (erf)  }
0x7f: {  	v59 =	vld [tilespmem:s12+$0x30];
	v7 =	vmul.f32 $1.442695020e+00, v7;
	(erf) = vpow2.f32 v8;
	v10 =	vadd.f32 v11, v10  }
0x80: {  	v60 =	vld [tilespmem:s12+$0x40];
	v11 =	vpop (erf)  }
0x81: {  	v61 =	vld [tilespmem:s12+$0x50];
	v9 =	vmul.f32 $1.442695020e+00, v9;
	(erf) = vpow2.f32 v7;
	v7 =	vadd.f32 v11, v10  }
0x82: {  	v8 =	vsub.f32 v58, v6;
	v11 =	vpop (erf)  }
0x83: {  	(erf) = vpow2.f32 v9;
	v7 =	vadd.f32 v11, v7  }
0x84: {  	v8 =	vmul.f32 $1.442695020e+00, v8;
	v10 =	vsub.f32 v59, v6;
	v11 =	vpop (erf)  }
0x85: {  	v62 =	vld [tilespmem:s12+$0x60];
	v9 =	vsub.f32 v60, v6;
	v7 =	vadd.f32 v11, v7  }
0x86: {  	v63 =	vld [tilespmem:s12+$0x70];
	v10 =	vmul.f32 $1.442695020e+00, v10;
	(erf) = vpow2.f32 v8;
	v8 =	vsub.f32 v61, v6;
	v11 =	vpop (erf)  }
0x87: {  	v9 =	vmul.f32 $1.442695020e+00, v9;
	v7 =	vadd.f32 v11, v7  }
0x88: {  	(erf) = vpow2.f32 v10;
	v8 =	vmul.f32 $1.442695020e+00, v8;
	v11 =	vpop (erf)  }
0x89: {  	v7 =	vadd.f32 v11, v7  }
0x8a: {  	v10 =	vsub.f32 v62, v6;
	(erf) = vpow2.f32 v9;
	v11 =	vpop (erf)  }
0x8b: {  	v9 =	vsub.f32 v63, v6;
	v7 =	vadd.f32 v11, v7  }
0x8c: {  	v10 =	vmul.f32 $1.442695020e+00, v10;
	(erf) = vpow2.f32 v8;
	v8 =	vpop (erf)  }
0x8d: {  	v7 =	vadd.f32 v8, v7;
	v8 =	vmul.f32 $1.442695020e+00, v9  }
0x8e: {  	(erf) = vpow2.f32 v10  }
0x8f: {  	v9 =	vpop (erf)  }
0x90: {  	v7 =	vadd.f32 v9, v7;
	(erf) = vpow2.f32 v8  }
0x91: {  	v8 =	vpop (erf)  }
0x92: {  	v7 =	vadd.f32 v8, v7  }
0x93: {  	v8 =	vpop (erf)  }
0x94: {  	v7 =	vadd.f32 v8, v7  }
0x95: {  	v8 =	vpop (erf)  }
0x96: {  	v7 =	vadd.f32 v8, v7  }
0x97: {  	v8 =	vpop (erf)  }
0x98: {  	v7 =	vadd.f32 v8, v7  }
0x99: {  	v8 =	vpop (erf)  }
0x9a: {  	v7 =	vadd.f32 v8, v7;
	_ =	sdelay $0x1  }
0x9b: {  	v8 =	vperm.xlane v7, v0;
	_ =	sdelay $0x1  }
0x9c: {  	v7 =	vadd.f32 v8, v7;
	_ =	sdelay $0x1  }
0x9d: {  	v8 =	vperm.xlane v7, v1;
	_ =	sdelay $0x1  }
0x9e: {  	v7 =	vadd.f32 v8, v7;
	_ =	sdelay $0x1  }
0x9f: {  	v8 =	vperm.xlane v7, v2;
	_ =	sdelay $0x1  }
0xa0: {  	v8 =	vadd.f32 v8, v7  }
0xa1: {  	v10 =	vimm.s32 $0x0  }
0xa2: {  	s12 =	simm.s32 $0x0;
	v11 =	vimm.s32 $0x80000000;
	v7 =	vimm.s32 $0x0;
	v9 =	vperm.xlane v8, v3  }
.LBB2_7:
0xa3: {  	v14 =	vld [tilespmem:s15+$0x800]  }
0xa4: {  	v15 =	vld [tilespmem:s15+$0x810]  }
0xa5: {  	v18 =	vld [tilespmem:s15+$0x820]  }
0xa6: {  	v12 =	vor.u32 v7, v11;
	v17 =	vld [tilespmem:s15+$0x830]  }
0xa7: {  	v16 =	vld [tilespmem:s15+$0x840];
	v13 =	vxor.u32 $0x80000000, v12  }
0xa8: {  	vm0 =	vge.s32 v14, v13;
	v14 =	vld [tilespmem:s15+$0x850]  }
0xa9: {  	v19 =	vsel vm0, $0x1, v4;
	vm0 =	vge.s32 v15, v13;
	v15 =	vld [tilespmem:s15+$0x860]  }
0xaa: {  	s13 =	simm.s32 $0x80;
	s14 =	simm.s32 $0x400;
	v19 =	vadd.s32 v19, v10;
	v20 =	vsel vm0, $0x1, v4;
	vm0 =	vge.s32 v18, v13;
	v18 =	vld [tilespmem:s15+$0x870]  }
.LBB2_8:
0xab: {  	p0 =	sne.s32 s14, $0x1E00;
	v21 =	vld [tilespmem:s13+$0x800];
	v19 =	vadd.s32 v20, v19;
	v20 =	vsel vm0, $0x1, v4;
	vm0 =	vge.s32 v17, v13  }
0xac: {  	v22 =	vld [tilespmem:s13+$0x810];
	v17 =	vadd.s32 v20, v19;
	v19 =	vsel vm0, $0x1, v4;
	vm0 =	vge.s32 v16, v13  }
0xad: {  	v23 =	vld [tilespmem:s13+$0x820];
	v16 =	vadd.s32 v19, v17;
	v19 =	vsel vm0, $0x1, v4;
	vm0 =	vge.s32 v14, v13  }
.Ltmp3:
0xae: {  	v17 =	vld [tilespmem:s13+$0x830];
	v14 =	vadd.s32 v19, v16;
	v19 =	vsel vm0, $0x1, v4;
	vm0 =	vge.s32 v15, v13;
	(pc) =	sbr.rel @p0 .LBB2_8-.Ltmp3, $4  }
0xaf: {  	v16 =	vld [tilespmem:s13+$0x840];
	v15 =	vadd.s32 v19, v14;
	v19 =	vsel vm0, $0x1, v4;
	vm0 =	vge.s32 v18, v13  }
0xb0: {  	vm1 =	vge.s32 v21, v13;
	v14 =	vld [tilespmem:s13+$0x850];
	v18 =	vadd.s32 v19, v15;
	v19 =	vsel vm0, $0x1, v4  }
0xb1: {  	v20 =	vsel vm1, $0x1, v4;
	vm0 =	vge.s32 v22, v13;
	v15 =	vld [tilespmem:s13+$0x860];
	v18 =	vadd.s32 v19, v18  }
0xb2: {  	v19 =	vadd.s32 v20, v18;
	v20 =	vsel vm0, $0x1, v4;
	vm0 =	vge.s32 v23, v13;
	v18 =	vld [tilespmem:s13+$0x870];
	s13 =	sshra.s32 s14, $0x2;
	s14 =	sadd.s32 $0x200, s14  }
0xb3: {  	v21 =	vld [tilespmem:s13+$0x800];
	v19 =	vadd.s32 v20, v19;
	v43 =	vsel vm0, $0x1, v4;
	vm15 =	vge.s32 v17, v13  }
0xb4: {  	v44 =	vld [tilespmem:s13+$0x810];
	v19 =	vadd.s32 v43, v19;
	v45 =	vsel vm15, $0x1, v4;
	vm4 =	vge.s32 v16, v13  }
0xb5: {  	v46 =	vld [tilespmem:s13+$0x820];
	v19 =	vadd.s32 v45, v19;
	v47 =	vsel vm4, $0x1, v4;
	vm5 =	vge.s32 v14, v13  }
0xb6: {  	v48 =	vld [tilespmem:s13+$0x830];
	v19 =	vadd.s32 v47, v19;
	v49 =	vsel vm5, $0x1, v4;
	vm6 =	vge.s32 v15, v13  }
0xb7: {  	v50 =	vld [tilespmem:s13+$0x840];
	v19 =	vadd.s32 v49, v19;
	v51 =	vsel vm6, $0x1, v4;
	vm7 =	vge.s32 v18, v13  }
0xb8: {  	v52 =	vld [tilespmem:s13+$0x850];
	vm1 =	vge.s32 v21, v13;
	v19 =	vadd.s32 v51, v19;
	v53 =	vsel vm7, $0x1, v4  }
0xb9: {  	v54 =	vld [tilespmem:s13+$0x860];
	vm8 =	vge.s32 v44, v13;
	v21 =	vsel vm1, $0x1, v4;
	v19 =	vadd.s32 v53, v19  }
0xba: {  	v56 =	vld [tilespmem:s13+$0x870];
	vm9 =	vge.s32 v46, v13;
	v55 =	vsel vm8, $0x1, v4;
	v19 =	vadd.s32 v21, v19  }
0xbb: {  	vm10 =	vge.s32 v48, v13;
	v57 =	vsel vm9, $0x1, v4;
	v19 =	vadd.s32 v55, v19  }
0xbc: {  	vm11 =	vge.s32 v50, v13;
	v59 =	vsel vm10, $0x1, v4;
	v58 =	vadd.s32 v57, v19  }
0xbd: {  	vm12 =	vge.s32 v52, v13;
	v15 =	vsel vm11, $0x1, v4;
	v14 =	vadd.s32 v59, v58  }
0xbe: {  	vm13 =	vge.s32 v54, v13;
	v60 =	vsel vm12, $0x1, v4;
	v14 =	vadd.s32 v15, v14  }
0xbf: {  	vm14 =	vge.s32 v56, v13;
	v61 =	vsel vm13, $0x1, v4;
	v14 =	vadd.s32 v60, v14  }
0xc0: {  	v63 =	vsel vm14, $0x1, v4;
	v62 =	vadd.s32 v61, v14  }
0xc1: {  	v13 =	vadd.s32 v63, v62  }
0xc2: {  	v14 =	vperm.xlane v13, v0;
	_ =	sdelay $0x1  }
0xc3: {  	v13 =	vadd.s32 v13, v14  }
0xc4: {  	v14 =	vperm.xlane v13, v1;
	_ =	sdelay $0x1  }
0xc5: {  	v13 =	vadd.s32 v14, v13  }
0xc6: {  	v14 =	vperm.xlane v13, v2  }
0xc7: {  	s12 =	sadd.s32 $0x1, s12  }
0xc8: {  	p0 =	sne.s32 s12, $0x20;
	v13 =	vadd.s32 v14, v13  }
.Ltmp4:
0xc9: {  	v14 =	vperm.xlane v13, v3;
	(pc) =	sbr.rel @p0 .LBB2_7-.Ltmp4, $4  }
0xca: {  	_ = 	snop  }
0xcb: {  	v13 =	vadd.s32 v14, v13  }
0xcc: {  	vm15 =	vlt.s32 v13, v5  }
0xcd: {  	v11 =	vshrl.u32 v11, $0x1;
	v7 =	vsel vm15, v7, v12  }
0xce: {  	v5 =	vadd.f32 v9, v8;
	_ =	sdelay $0x1  }
0xcf: {  	v8 =	vand.u32 $0x7FFFFF, v5  }
0xd0: {  	v8 =	vor.u32 $0x3F800000, v8  }
0xd1: {  	v9 =	vadd.f32 $1.000000000e+00, v8;
	_ =	sdelay $0x1  }
0xd2: {  	(erf) = vrcp.f32 v9;
	_ =	sdelay $0x7  }
0xd3: {  	v8 =	vadd.f32 $-1.000000000e+00, v8  }
0xd4: {  	v9 =	vpop (erf)  }
0xd5: {  	v8 =	vmul.f32 v9, v8;
	_ =	sdelay $0x1  }
0xd6: {  	v9 =	vmul.f32 v8, v8;
	_ =	sdelay $0x1  }
0xd7: {  	v10 =	vmul.f32 $1.818181870e-01, v9;
	_ =	sdelay $0x1  }
0xd8: {  	v10 =	vadd.f32 $2.222222240e-01, v10;
	_ =	sdelay $0x1  }
0xd9: {  	v10 =	vmul.f32 v10, v9;
	_ =	sdelay $0x1  }
0xda: {  	v10 =	vadd.f32 $2.857142980e-01, v10;
	_ =	sdelay $0x1  }
0xdb: {  	v10 =	vmul.f32 v10, v9;
	_ =	sdelay $0x1  }
0xdc: {  	v10 =	vadd.f32 $4.000000060e-01, v10;
	_ =	sdelay $0x1  }
0xdd: {  	v10 =	vmul.f32 v10, v9;
	_ =	sdelay $0x1  }
0xde: {  	v10 =	vadd.f32 $6.666666860e-01, v10;
	_ =	sdelay $0x1  }
0xdf: {  	v5 =	vshra.s32 v5, $0x17;
	v9 =	vmul.f32 v10, v9  }
0xe0: {  	v5 =	vadd.s32 $0xFFFFFF81, v5  }
0xe1: {  	v5 =	vcvt.s32.f32 v5;
	v9 =	vadd.f32 $2.000000000e+00, v9  }
0xe2: {  	s12 =	simm.s32 $0x0  }
0xe3: {  	v11 =	vld [tilespmem:s12+$0x10];
	v5 =	vmul.f32 $6.931471820e-01, v5;
	v8 =	vmul.f32 v9, v8  }
0xe4: {  	v9 =	vld [tilespmem:s12+$0x70]  }
0xe5: {  	v10 =	vld [tilespmem:s12+$0x870];
	v5 =	vadd.f32 v8, v5  }
0xe6: {  	v12 =	vld [tilespmem:s12+$0x20]  }
0xe7: {  	v13 =	vld [tilespmem:s12+$0x30];
	v6 =	vadd.f32 v5, v6  }
0xe8: {  	v15 =	vld [tilespmem:s12+$0x50]  }
0xe9: {  	v18 =	vld [tilespmem:s12+$0x60];
	v5 =	vxor.u32 $0x80000000, v7;
	v7 =	vsub.f32 v9, v6  }
0xea: {  	v8 =	vld [tilespmem:s12+$0x0];
	vm0 =	vlt.s32 v10, v5  }
0xeb: {  	v9 =	vld [tilespmem:s12+$0x40];
	v7 =	vsel vm0, $0xCE6E6B28, v7  }
0xec: {  	[tilespmem:s12+$0x1070] =	vst v7;
	v7 =	vld [tilespmem:s12+$0x800]  }
0xed: {  	v19 =	vld [tilespmem:s12+$0x810]  }
0xee: {  	v17 =	vld [tilespmem:s12+$0x820]  }
0xef: {  	v16 =	vld [tilespmem:s12+$0x830];
	v14 =	vsub.f32 v11, v6;
	v11 =	vsub.f32 v12, v6  }
0xf0: {  	v10 =	vsub.f32 v13, v6;
	v13 =	vld [tilespmem:s12+$0x840];
	v20 =	vsub.f32 v8, v6  }
0xf1: {  	v12 =	vld [tilespmem:s12+$0x850];
	v8 =	vsub.f32 v15, v6;
	v9 =	vsub.f32 v9, v6;
	vm0 =	vlt.s32 v7, v5  }
0xf2: {  	s13 =	simm.s32 $0x80;
	s14 =	simm.s32 $0x400;
	v15 =	vld [tilespmem:s12+$0x860];
	v7 =	vsub.f32 v18, v6;
	v18 =	vsel vm0, $0xCE6E6B28, v20;
	vm0 =	vlt.s32 v19, v5  }
.LBB2_11:
0xf3: {  	p0 =	sne.s32 s14, $0x1E00;
	v19 =	vld [tilespmem:s13+$0x70];
	[tilespmem:s12+$0x1000] =	vst v18;
	v14 =	vsel vm0, $0xCE6E6B28, v14;
	vm0 =	vlt.s32 v17, v5  }
0xf4: {  	v17 =	vld [tilespmem:s13+$0x870];
	[tilespmem:s12+$0x1010] =	vst v14;
	v11 =	vsel vm0, $0xCE6E6B28, v11;
	vm0 =	vlt.s32 v16, v5  }
0xf5: {  	v14 =	vld [tilespmem:s13+$0x0];
	[tilespmem:s12+$0x1020] =	vst v11;
	v10 =	vsel vm0, $0xCE6E6B28, v10;
	vm0 =	vlt.s32 v13, v5  }
0xf6: {  	v11 =	vld [tilespmem:s13+$0x10];
	[tilespmem:s12+$0x1030] =	vst v10;
	v9 =	vsel vm0, $0xCE6E6B28, v9;
	vm0 =	vlt.s32 v12, v5  }
0xf7: {  	v10 =	vld [tilespmem:s13+$0x20];
	[tilespmem:s12+$0x1040] =	vst v9;
	v8 =	vsel vm0, $0xCE6E6B28, v8;
	vm0 =	vlt.s32 v15, v5  }
0xf8: {  	v9 =	vld [tilespmem:s13+$0x30];
	v12 =	vsub.f32 v19, v6;
	[tilespmem:s12+$0x1050] =	vst v8;
	v7 =	vsel vm0, $0xCE6E6B28, v7  }
0xf9: {  	v8 =	vld [tilespmem:s13+$0x40];
	vm0 =	vlt.s32 v17, v5;
	[tilespmem:s12+$0x1060] =	vst v7;
	s12 =	smov.u32 s13  }
0xfa: {  	v15 =	vsub.f32 v14, v6;
	v7 =	vld [tilespmem:s12+$0x50];
	v12 =	vsel vm0, $0xCE6E6B28, v12  }
0xfb: {  	v14 =	vsub.f32 v11, v6;
	v18 =	vld [tilespmem:s12+$0x60];
	[tilespmem:s12+$0x1070] =	vst v12  }
0xfc: {  	v12 =	vld [tilespmem:s12+$0x800];
	v11 =	vsub.f32 v10, v6  }
0xfd: {  	v19 =	vld [tilespmem:s12+$0x810];
	v10 =	vsub.f32 v9, v6  }
.Ltmp5:
0xfe: {  	v17 =	vld [tilespmem:s12+$0x820];
	v9 =	vsub.f32 v8, v6;
	(pc) =	sbr.rel @p0 .LBB2_11-.Ltmp5, $4  }
0xff: {  	v16 =	vld [tilespmem:s12+$0x830];
	v8 =	vsub.f32 v7, v6  }
0x100: {  	v13 =	vld [tilespmem:s12+$0x840];
	v7 =	vsub.f32 v18, v6  }
0x101: {  	vm0 =	vlt.s32 v12, v5;
	v12 =	vld [tilespmem:s12+$0x850]  }
0x102: {  	s13 =	sshra.s32 s14, $0x2;
	s14 =	sadd.s32 $0x200, s14;
	v18 =	vsel vm0, $0xCE6E6B28, v15;
	vm0 =	vlt.s32 v19, v5;
	v15 =	vld [tilespmem:s12+$0x860]  }
0x103: {  	v19 =	vld [tilespmem:s13+$0x70];
	[tilespmem:s12+$0x1000] =	vst v18;
	v14 =	vsel vm0, $0xCE6E6B28, v14;
	vm15 =	vlt.s32 v17, v5  }
0x104: {  	v18 =	vld [tilespmem:s13+$0x870];
	[tilespmem:s12+$0x1010] =	vst v14;
	v11 =	vsel vm15, $0xCE6E6B28, v11;
	vm4 =	vlt.s32 v16, v5  }
0x105: {  	v14 =	vld [tilespmem:s13+$0x0];
	[tilespmem:s12+$0x1020] =	vst v11;
	v10 =	vsel vm4, $0xCE6E6B28, v10;
	vm5 =	vlt.s32 v13, v5  }
0x106: {  	v11 =	vld [tilespmem:s13+$0x10];
	[tilespmem:s12+$0x1030] =	vst v10;
	v9 =	vsel vm5, $0xCE6E6B28, v9;
	vm6 =	vlt.s32 v12, v5  }
0x107: {  	v10 =	vld [tilespmem:s13+$0x20];
	[tilespmem:s12+$0x1040] =	vst v9;
	v8 =	vsel vm6, $0xCE6E6B28, v8;
	vm7 =	vlt.s32 v15, v5  }
0x108: {  	v9 =	vld [tilespmem:s13+$0x30];
	[tilespmem:s12+$0x1050] =	vst v8;
	v7 =	vsel vm7, $0xCE6E6B28, v7  }
0x109: {  	v8 =	vld [tilespmem:s13+$0x40];
	[tilespmem:s12+$0x1060] =	vst v7  }
0x10a: {  	v7 =	vld [tilespmem:s13+$0x50]  }
0x10b: {  	v56 =	vld [tilespmem:s13+$0x60]  }
0x10c: {  	v57 =	vld [tilespmem:s13+$0x800]  }
0x10d: {  	v58 =	vld [tilespmem:s13+$0x810]  }
0x10e: {  	v59 =	vld [tilespmem:s13+$0x820]  }
0x10f: {  	v55 =	vsub.f32 v19, v6;
	v60 =	vld [tilespmem:s13+$0x830]  }
0x110: {  	vm8 =	vlt.s32 v18, v5;
	v14 =	vsub.f32 v14, v6;
	v61 =	vld [tilespmem:s13+$0x840]  }
0x111: {  	v12 =	vsel vm8, $0xCE6E6B28, v55;
	v62 =	vld [tilespmem:s13+$0x850];
	v11 =	vsub.f32 v11, v6;
	vm9 =	vlt.s32 v57, v5  }
0x112: {  	v63 =	vld [tilespmem:s13+$0x860];
	[tilespmem:s13+$0x1070] =	vst v12;
	v10 =	vsub.f32 v10, v6;
	vm10 =	vlt.s32 v58, v5;
	v14 =	vsel vm9, $0xCE6E6B28, v14  }
0x113: {  	v9 =	vsub.f32 v9, v6;
	vm11 =	vlt.s32 v59, v5;
	v11 =	vsel vm10, $0xCE6E6B28, v11;
	[tilespmem:s13+$0x1000] =	vst v14  }
0x114: {  	v8 =	vsub.f32 v8, v6;
	vm12 =	vlt.s32 v60, v5;
	v10 =	vsel vm11, $0xCE6E6B28, v10;
	[tilespmem:s13+$0x1010] =	vst v11  }
0x115: {  	v7 =	vsub.f32 v7, v6;
	vm13 =	vlt.s32 v61, v5;
	v9 =	vsel vm12, $0xCE6E6B28, v9;
	[tilespmem:s13+$0x1020] =	vst v10  }
0x116: {  	v6 =	vsub.f32 v56, v6;
	vm14 =	vlt.s32 v62, v5;
	v8 =	vsel vm13, $0xCE6E6B28, v8;
	[tilespmem:s13+$0x1030] =	vst v9  }
0x117: {  	s2 =	sadd.s32 $0x1, s2;
	vm15 =	vlt.s32 v63, v5;
	[tilespmem:s13+$0x1040] =	vst v8;
	v7 =	vsel vm14, $0xCE6E6B28, v7  }
0x118: {  	p0 =	sne.s32 s2, s6;
	v5 =	vsel vm15, $0xCE6E6B28, v6;
	[tilespmem:s13+$0x1050] =	vst v7  }
.Ltmp6:
0x119: {  	[tilespmem:s13+$0x1060] =	vst v5;
	(pc) =	sbr.rel @p0 .LBB2_2-.Ltmp6, $4  }
0x11a: {  	[hbm4b:s4+s7] =	stream.strided.scatter [tilespmem:s11], [sflag:$0x1], $0x800, s8, s7, $0x38;
	[tilespmem:$0x1880] =	vst v63  }
0x11b: {  	_ =	swait.ge [sflag:s9], $0x800  }
0x11c: {  	[sflag:s9] =	ssyncset.done $0x0  }
0x11d: {  	[sflag:s9] =	ssyncadd.s32 $0xFFFFF800  }
.LBB2_13:
0x11e: {  	_ =	sfence.sel $0x180000  }
0x11f: {  	[bflag:$0x0] =	sbarrier.arrive $0xFFFF  }
0x120: {  	p0 =	sne.s32 s1, $0x0;
	_ =	strace $0x90000047  }
0x121: {  	s0 =	sadd.s32 @!p0 $0x100000, s0;
	[bflag:$0x2] =	sbarrier.arrive $0xFFFF  }
0x122: {  	[sflag:s0] =	ssyncadd.tile.s32 @!p0 $0x1;
	_ =	shalt  }
.Lfunc_end2:
_tile_overlayer_lowered:
.L_overlay_start_2:
0x123: {  	(tag) =	ssettag $0x2  }
0x124: {  	s0 =	rddreg [dreg:$0x0];
	s2 =	stileid.u32  }
0x125: {  	s1 =	rddreg [dreg:$0x1];
	p0 =	sne.s32 s2, $0x0  }
0x126: {  	s3 =	rddreg [dreg:$0x2];
	[bflag:$0x3] =	sbarrier.arrive $0xFFFF;
	s2 =	simm.s32 @!p0 $0x1C01  }
0x127: {  	[timem:s3], [sflag:s2] =	dma.local @!p0 [hbm:s0], s1  }
0x128: {  	s0 =	simm.s32 @!p0 $0x1  }
0x129: {  	_ =	swait.ge @!p0 [sflag:s0], s1  }
0x12a: {  	s1 =	ssub.s32 @!p0 $0x0, s1;
	[sflag:s0] =	ssyncset.done @!p0 $0x0  }
0x12b: {  	[sflag:s0] =	ssyncadd.s32 @!p0 s1  }
0x12c: {  	[bflag:$0x3] =	sbarrier.arrive $0xFFFF  }
0x12d: {  	_ =	shalt  }

</sc_bundles>
